<compile_context>
chip_gen: v7x
topology: tpu7x:2x2x1
jax: 0.10.2.dev20260603
libtpu: 0.0.44.dev20260713+nightly
codegen_flags: <defaults>
</compile_context>

<pallas_src>
import functools

import jax
import jax.numpy as jnp
from jax import lax
from jax.experimental import pallas as pl
from jax.experimental.pallas import tpu as pltpu
from jax.experimental.pallas import tpu_sc as plsc

_NC = 2
_NS = 16
_NW = _NC * _NS
_CHUNK = 128
_NBUF = 6
_D = 3


@functools.lru_cache(maxsize=None)
def _build(n_tokens, vocab, embed):
    per_w = n_tokens // _NW
    n_chunks = per_w // _CHUNK
    n_tail = n_chunks % _NBUF
    main_end = n_chunks - n_tail
    assert per_w % _CHUNK == 0 and n_chunks >= _NBUF + n_tail

    mesh = plsc.VectorSubcoreMesh(core_axis_name="c", subcore_axis_name="s")

    @functools.partial(
        pl.kernel,
        out_type=jax.ShapeDtypeStruct((n_tokens, embed), jnp.float32),
        mesh=mesh,
        scratch_types=[
            pltpu.VMEM((n_chunks, _CHUNK), jnp.int32),
            [pltpu.VMEM((_CHUNK, embed), jnp.float32) for _ in range(_NBUF)],
            [pltpu.SemaphoreType.DMA for _ in range(_NBUF)],
            [pltpu.SemaphoreType.DMA for _ in range(_NBUF)],
        ],
    )
    def _emb(idx_hbm, table_hbm, out_hbm, idx_v, rows, gsem, osem):
        wid = lax.axis_index("s") * _NC + lax.axis_index("c")
        base = wid * per_w
        pltpu.sync_copy(idx_hbm.at[wid], idx_v)

        def out_at(j):
            return out_hbm.at[pl.ds(base + j * _CHUNK, _CHUNK)]

        for b in range(_D):
            pltpu.async_copy(table_hbm.at[idx_v.at[b]], rows[b], gsem[b])

        @pl.loop(0, main_end, step=_NBUF)
        def _body(j):
            for b in range(_NBUF):
                jj = j + b
                b2 = (b + _D) % _NBUF
                @pl.when(jj + _D < n_chunks)
                def _():
                    @pl.when(jj >= _NBUF - _D)
                    def _():
                        pltpu.make_async_copy(
                            rows[b2], out_at(jj + _D - _NBUF), osem[b2]).wait()
                    pltpu.async_copy(
                        table_hbm.at[idx_v.at[jj + _D]], rows[b2], gsem[b2])
                pltpu.make_async_copy(
                    table_hbm.at[idx_v.at[jj]], rows[b], gsem[b]).wait()
                pltpu.async_copy(rows[b], out_at(jj), osem[b])

        for t in range(main_end, n_chunks):
            b = t % _NBUF
            pltpu.make_async_copy(
                table_hbm.at[idx_v.at[t]], rows[b], gsem[b]).wait()
            pltpu.async_copy(rows[b], out_at(t), osem[b])

        for t in range(n_chunks - _NBUF, n_chunks):
            pltpu.make_async_copy(rows[t % _NBUF], out_at(t), osem[t % _NBUF]).wait()

    return _emb


def kernel(x, emb_table):
    B, L = x.shape
    V, D = emb_table.shape
    n = B * L
    emb = _build(n, V, D)
    idx = x.reshape(_NW, n // (_NW * _CHUNK), _CHUNK).astype(jnp.int32)
    out = emb(idx, emb_table)
    return out.reshape(B, L, D)

# --- scband reference (transcript-rebuilt; emitter-appended) ---
"""Pipeline reference for scband-static-rwkv-core-58815282151995 (READ-ONLY COPY).

The authoritative reference and input builder live on the scoring server;
editing this copy changes nothing except your own understanding.
"""

import jax, jax.numpy as jnp
import numpy as np

VOCAB = 100000
EMBED = 128
B = 1024
L = 200


def setup_inputs(seed: int = 0) -> dict:
    key = jax.random.key(seed)
    k1, k2 = jax.random.split(key)
    x = jax.random.randint(k1, (B, L), 0, VOCAB, dtype=jnp.int32)
    emb_table = jax.random.normal(k2, (VOCAB, EMBED), dtype=jnp.float32) * 0.02
    return {"x": x, "emb_table": emb_table}


def reference(x, emb_table):
    # Faithful translation of StaticRwkvCore.forward: the core path is a pure
    # embedding lookup self.core.emb(x.long()) -> [B, L, n_embd].
    idx = x.astype(jnp.int32)
    out = jnp.take(emb_table, idx, axis=0)
    return out

if __name__ == "__main__":
    import jax
    _d = setup_inputs()
    print(jax.jit(kernel)(*tuple(_d.values())))

</pallas_src>

<mosaic_0001>
#map = affine_map<(d0, d1) -> (0, 0, 0)>
#map1 = affine_map<(d0, d1) -> (0, 0)>
module attributes {stable_mosaic.version = 14 : i64} {
  func.func @_emb(%arg0: i32, %arg1: i32, %arg2: memref<32x50x128xi32, #tpu.memory_space<hbm>>, %arg3: memref<100000x128xf32, #tpu.memory_space<hbm>>, %arg4: memref<204800x128xf32, #tpu.memory_space<hbm>>, %arg5: memref<50x128xi32, #tpu.memory_space<vmem>>, %arg6: memref<128x128xf32, #tpu.memory_space<vmem>>, %arg7: memref<128x128xf32, #tpu.memory_space<vmem>>, %arg8: memref<128x128xf32, #tpu.memory_space<vmem>>, %arg9: memref<128x128xf32, #tpu.memory_space<vmem>>, %arg10: memref<128x128xf32, #tpu.memory_space<vmem>>, %arg11: memref<128x128xf32, #tpu.memory_space<vmem>>, %arg12: memref<!tpu.dma_semaphore, #tpu.memory_space<semaphore_mem>>, %arg13: memref<!tpu.dma_semaphore, #tpu.memory_space<semaphore_mem>>, %arg14: memref<!tpu.dma_semaphore, #tpu.memory_space<semaphore_mem>>, %arg15: memref<!tpu.dma_semaphore, #tpu.memory_space<semaphore_mem>>, %arg16: memref<!tpu.dma_semaphore, #tpu.memory_space<semaphore_mem>>, %arg17: memref<!tpu.dma_semaphore, #tpu.memory_space<semaphore_mem>>, %arg18: memref<!tpu.dma_semaphore, #tpu.memory_space<semaphore_mem>>, %arg19: memref<!tpu.dma_semaphore, #tpu.memory_space<semaphore_mem>>, %arg20: memref<!tpu.dma_semaphore, #tpu.memory_space<semaphore_mem>>, %arg21: memref<!tpu.dma_semaphore, #tpu.memory_space<semaphore_mem>>, %arg22: memref<!tpu.dma_semaphore, #tpu.memory_space<semaphore_mem>>, %arg23: memref<!tpu.dma_semaphore, #tpu.memory_space<semaphore_mem>>) attributes {dimension_semantics = [#tpu.dimension_semantics<core_parallel>, #tpu.dimension_semantics<subcore_parallel>], iteration_bounds = array<i64: 2, 16>, scalar_prefetch = 0 : i64, scratch_operands = 19 : i64, tpu.core_type = #tpu.core_type<sc_vector_subcore>, window_params = [{transform_indices = #map}, {transform_indices = #map1}, {transform_indices = #map1}]} {
    %mul3A = arith.constant 2 : i32
    %mul3A_0 = arith.muli %arg1, %mul3A : i32
    %add3A = arith.addi %mul3A_0, %arg0 : i32
    %mul3A_1 = arith.constant 6400 : i32
    %mul3A_2 = arith.muli %add3A, %mul3A_1 : i32
    "tpu.region"() ({
      %run_scoped3A = tpu.sem_alloc : memref<!tpu.dma_semaphore, #tpu.memory_space<semaphore_mem>>
      %dma_start3A_88 = arith.constant 0 : i32
      %dma_start3A_89 = arith.constant 0 : i32
      %dma_start3A_90 = tpu.memref_slice %arg2[%add3A, %dma_start3A_88, %dma_start3A_89] : memref<32x50x128xi32, #tpu.memory_space<hbm>> -> memref<1x50x128xi32, #tpu.memory_space<hbm>>
      %dma_start3A_91 = tpu.memref_squeeze %dma_start3A_90 : memref<1x50x128xi32, #tpu.memory_space<hbm>> -> memref<50x128xi32, #tpu.memory_space<hbm>>
      %dma_start3A_92 = arith.constant 0 : i32
      %dma_start3A_93 = arith.constant 0 : i32
      %dma_start3A_94 = tpu.memref_slice %arg2[%add3A, %dma_start3A_92, %dma_start3A_93] : memref<32x50x128xi32, #tpu.memory_space<hbm>> -> memref<1x50x128xi32, #tpu.memory_space<hbm>>
      %dma_start3A_95 = tpu.memref_squeeze %dma_start3A_94 : memref<1x50x128xi32, #tpu.memory_space<hbm>> -> memref<50x128xi32, #tpu.memory_space<hbm>>
      tpu.enqueue_dma source(%dma_start3A_95 : memref<50x128xi32, #tpu.memory_space<hbm>>) target(%arg5 : memref<50x128xi32, #tpu.memory_space<vmem>>) target_semaphore(%run_scoped3A : memref<!tpu.dma_semaphore, #tpu.memory_space<semaphore_mem>>)
      %dma_wait3A_96 = arith.constant 0 : i32
      %dma_wait3A_97 = arith.constant 0 : i32
      %dma_wait3A_98 = tpu.memref_slice %arg2[%add3A, %dma_wait3A_96, %dma_wait3A_97] : memref<32x50x128xi32, #tpu.memory_space<hbm>> -> memref<1x50x128xi32, #tpu.memory_space<hbm>>
      %dma_wait3A_99 = tpu.memref_squeeze %dma_wait3A_98 : memref<1x50x128xi32, #tpu.memory_space<hbm>> -> memref<50x128xi32, #tpu.memory_space<hbm>>
      %dma_wait3A_100 = arith.constant 0 : i32
      %dma_wait3A_101 = arith.constant 0 : i32
      %dma_wait3A_102 = tpu.memref_slice %arg2[%add3A, %dma_wait3A_100, %dma_wait3A_101] : memref<32x50x128xi32, #tpu.memory_space<hbm>> -> memref<1x50x128xi32, #tpu.memory_space<hbm>>
      %dma_wait3A_103 = tpu.memref_squeeze %dma_wait3A_102 : memref<1x50x128xi32, #tpu.memory_space<hbm>> -> memref<50x128xi32, #tpu.memory_space<hbm>>
      tpu.wait_dma2 semaphore(%run_scoped3A : memref<!tpu.dma_semaphore, #tpu.memory_space<semaphore_mem>>) src(%dma_wait3A_103 : memref<50x128xi32, #tpu.memory_space<hbm>>) dst(%arg5 : memref<50x128xi32, #tpu.memory_space<vmem>>)
      tpu.yield
    }) : () -> ()
    %dma_start3A = arith.constant 0 : i32
    %dma_start3A_3 = arith.constant 0 : i32
    %dma_start3A_4 = tpu.memref_slice %arg5[%dma_start3A, %dma_start3A_3] : memref<50x128xi32, #tpu.memory_space<vmem>> -> memref<1x128xi32, #tpu.memory_space<vmem>>
    %dma_start3A_5 = tpu.memref_squeeze %dma_start3A_4 : memref<1x128xi32, #tpu.memory_space<vmem>> -> memref<128xi32, #tpu.memory_space<vmem>>
    %dma_start3A_6 = arith.constant 0 : i32
    %dma_start3A_7 = arith.constant 0 : i32
    %dma_start3A_8 = tpu.memref_slice %arg3[%dma_start3A_6, %dma_start3A_7] : memref<100000x128xf32, #tpu.memory_space<hbm>> -> memref<100000x128xf32, #tpu.memory_space<hbm>>
    tpu.enqueue_indirect_dma source(%dma_start3A_8 : memref<100000x128xf32, #tpu.memory_space<hbm>>) target(%arg6 : memref<128x128xf32, #tpu.memory_space<vmem>>) offsets(%dma_start3A_5 : memref<128xi32, #tpu.memory_space<vmem>>) semaphore(%arg12 : memref<!tpu.dma_semaphore, #tpu.memory_space<semaphore_mem>>)
    %dma_start3A_9 = arith.constant 1 : i32
    %dma_start3A_10 = arith.constant 0 : i32
    %dma_start3A_11 = tpu.memref_slice %arg5[%dma_start3A_9, %dma_start3A_10] : memref<50x128xi32, #tpu.memory_space<vmem>> -> memref<1x128xi32, #tpu.memory_space<vmem>>
    %dma_start3A_12 = tpu.memref_squeeze %dma_start3A_11 : memref<1x128xi32, #tpu.memory_space<vmem>> -> memref<128xi32, #tpu.memory_space<vmem>>
    %dma_start3A_13 = arith.constant 0 : i32
    %dma_start3A_14 = arith.constant 0 : i32
    %dma_start3A_15 = tpu.memref_slice %arg3[%dma_start3A_13, %dma_start3A_14] : memref<100000x128xf32, #tpu.memory_space<hbm>> -> memref<100000x128xf32, #tpu.memory_space<hbm>>
    tpu.enqueue_indirect_dma source(%dma_start3A_15 : memref<100000x128xf32, #tpu.memory_space<hbm>>) target(%arg7 : memref<128x128xf32, #tpu.memory_space<vmem>>) offsets(%dma_start3A_12 : memref<128xi32, #tpu.memory_space<vmem>>) semaphore(%arg13 : memref<!tpu.dma_semaphore, #tpu.memory_space<semaphore_mem>>)
    %dma_start3A_16 = arith.constant 2 : i32
    %dma_start3A_17 = arith.constant 0 : i32
    %dma_start3A_18 = tpu.memref_slice %arg5[%dma_start3A_16, %dma_start3A_17] : memref<50x128xi32, #tpu.memory_space<vmem>> -> memref<1x128xi32, #tpu.memory_space<vmem>>
    %dma_start3A_19 = tpu.memref_squeeze %dma_start3A_18 : memref<1x128xi32, #tpu.memory_space<vmem>> -> memref<128xi32, #tpu.memory_space<vmem>>
    %dma_start3A_20 = arith.constant 0 : i32
    %dma_start3A_21 = arith.constant 0 : i32
    %dma_start3A_22 = tpu.memref_slice %arg3[%dma_start3A_20, %dma_start3A_21] : memref<100000x128xf32, #tpu.memory_space<hbm>> -> memref<100000x128xf32, #tpu.memory_space<hbm>>
    tpu.enqueue_indirect_dma source(%dma_start3A_22 : memref<100000x128xf32, #tpu.memory_space<hbm>>) target(%arg8 : memref<128x128xf32, #tpu.memory_space<vmem>>) offsets(%dma_start3A_19 : memref<128xi32, #tpu.memory_space<vmem>>) semaphore(%arg14 : memref<!tpu.dma_semaphore, #tpu.memory_space<semaphore_mem>>)
    %scan3A = arith.constant 0 : i32
    %scan3A_23 = arith.constant 8 : i32
    %scan3A_24 = arith.addi %scan3A, %scan3A_23 : i32
    %scan3A_25 = arith.constant 1 : i32
    scf.for %scan3A_88 = %scan3A to %scan3A_24 step %scan3A_25  : i32 {
      %mul3A_89 = arith.constant 6 : i32
      %mul3A_90 = arith.muli %scan3A_88, %mul3A_89 : i32
      %add3A_91 = arith.constant 0 : i32
      %add3A_92 = arith.addi %add3A_91, %mul3A_90 : i32
      %add3A_93 = arith.constant 0 : i32
      %add3A_94 = arith.addi %add3A_92, %add3A_93 : i32
      %add3A_95 = arith.constant 3 : i32
      %add3A_96 = arith.addi %add3A_94, %add3A_95 : i32
      %lt3A = arith.constant 50 : i32
      %lt3A_97 = arith.cmpi slt, %add3A_96, %lt3A : i32
      %convert_element_type3A = arith.extui %lt3A_97 : i1 to i32
      %cond3A = arith.constant 0 : i32
      %cond3A_98 = arith.cmpi ne, %convert_element_type3A, %cond3A : i32
      scf.if %cond3A_98 {
        %ge3A = arith.constant 3 : i32
        %ge3A_222 = arith.cmpi sge, %add3A_94, %ge3A : i32
        %convert_element_type3A_223 = arith.extui %ge3A_222 : i1 to i32
        %cond3A_224 = arith.constant 0 : i32
        %cond3A_225 = arith.cmpi ne, %convert_element_type3A_223, %cond3A_224 : i32
        scf.if %cond3A_225 {
          %add3A_234 = arith.constant 3 : i32
          %add3A_235 = arith.addi %add3A_94, %add3A_234 : i32
          %sub3A = arith.constant 6 : i32
          %sub3A_236 = arith.subi %add3A_235, %sub3A : i32
          %mul3A_237 = arith.constant 128 : i32
          %mul3A_238 = arith.muli %sub3A_236, %mul3A_237 : i32
          %add3A_239 = arith.addi %mul3A_2, %mul3A_238 : i32
          %dma_wait3A_240 = arith.constant 0 : i32
          %dma_wait3A_241 = tpu.memref_slice %arg4[%add3A_239, %dma_wait3A_240] : memref<204800x128xf32, #tpu.memory_space<hbm>> -> memref<128x128xf32, #tpu.memory_space<hbm>>
          %dma_wait3A_242 = arith.constant 0 : i32
          %dma_wait3A_243 = tpu.memref_slice %arg4[%add3A_239, %dma_wait3A_242] : memref<204800x128xf32, #tpu.memory_space<hbm>> -> memref<128x128xf32, #tpu.memory_space<hbm>>
          tpu.wait_dma2 semaphore(%arg21 : memref<!tpu.dma_semaphore, #tpu.memory_space<semaphore_mem>>) src(%arg9 : memref<128x128xf32, #tpu.memory_space<vmem>>) dst(%dma_wait3A_243 : memref<128x128xf32, #tpu.memory_space<hbm>>)
        } else {
        }
        %add3A_226 = arith.constant 3 : i32
        %add3A_227 = arith.addi %add3A_94, %add3A_226 : i32
        %dma_start3A_228 = arith.constant 0 : i32
        %dma_start3A_229 = tpu.memref_slice %arg5[%add3A_227, %dma_start3A_228] : memref<50x128xi32, #tpu.memory_space<vmem>> -> memref<1x128xi32, #tpu.memory_space<vmem>>
        %dma_start3A_230 = tpu.memref_squeeze %dma_start3A_229 : memref<1x128xi32, #tpu.memory_space<vmem>> -> memref<128xi32, #tpu.memory_space<vmem>>
        %dma_start3A_231 = arith.constant 0 : i32
        %dma_start3A_232 = arith.constant 0 : i32
        %dma_start3A_233 = tpu.memref_slice %arg3[%dma_start3A_231, %dma_start3A_232] : memref<100000x128xf32, #tpu.memory_space<hbm>> -> memref<100000x128xf32, #tpu.memory_space<hbm>>
        tpu.enqueue_indirect_dma source(%dma_start3A_233 : memref<100000x128xf32, #tpu.memory_space<hbm>>) target(%arg9 : memref<128x128xf32, #tpu.memory_space<vmem>>) offsets(%dma_start3A_230 : memref<128xi32, #tpu.memory_space<vmem>>) semaphore(%arg15 : memref<!tpu.dma_semaphore, #tpu.memory_space<semaphore_mem>>)
      } else {
      }
      %dma_wait3A_99 = arith.constant 0 : i32
      %dma_wait3A_100 = tpu.memref_slice %arg5[%add3A_94, %dma_wait3A_99] : memref<50x128xi32, #tpu.memory_space<vmem>> -> memref<1x128xi32, #tpu.memory_space<vmem>>
      %dma_wait3A_101 = tpu.memref_squeeze %dma_wait3A_100 : memref<1x128xi32, #tpu.memory_space<vmem>> -> memref<128xi32, #tpu.memory_space<vmem>>
      %dma_wait3A_102 = arith.constant 0 : i32
      %dma_wait3A_103 = arith.constant 0 : i32
      %dma_wait3A_104 = tpu.memref_slice %arg3[%dma_wait3A_102, %dma_wait3A_103] : memref<100000x128xf32, #tpu.memory_space<hbm>> -> memref<100000x128xf32, #tpu.memory_space<hbm>>
      tpu.wait_indirect_dma semaphore(%arg12 : memref<!tpu.dma_semaphore, #tpu.memory_space<semaphore_mem>>) src(%dma_wait3A_104 : memref<100000x128xf32, #tpu.memory_space<hbm>>) dst(%arg6 : memref<128x128xf32, #tpu.memory_space<vmem>>)
      %mul3A_105 = arith.constant 128 : i32
      %mul3A_106 = arith.muli %add3A_94, %mul3A_105 : i32
      %add3A_107 = arith.addi %mul3A_2, %mul3A_106 : i32
      %dma_start3A_108 = arith.constant 0 : i32
      %dma_start3A_109 = tpu.memref_slice %arg4[%add3A_107, %dma_start3A_108] : memref<204800x128xf32, #tpu.memory_space<hbm>> -> memref<128x128xf32, #tpu.memory_space<hbm>>
      %dma_start3A_110 = arith.constant 0 : i32
      %dma_start3A_111 = tpu.memref_slice %arg4[%add3A_107, %dma_start3A_110] : memref<204800x128xf32, #tpu.memory_space<hbm>> -> memref<128x128xf32, #tpu.memory_space<hbm>>
      tpu.enqueue_dma source(%arg6 : memref<128x128xf32, #tpu.memory_space<vmem>>) target(%dma_start3A_111 : memref<128x128xf32, #tpu.memory_space<hbm>>) target_semaphore(%arg18 : memref<!tpu.dma_semaphore, #tpu.memory_space<semaphore_mem>>)
      %add3A_112 = arith.constant 1 : i32
      %add3A_113 = arith.addi %add3A_92, %add3A_112 : i32
      %add3A_114 = arith.constant 3 : i32
      %add3A_115 = arith.addi %add3A_113, %add3A_114 : i32
      %lt3A_116 = arith.constant 50 : i32
      %lt3A_117 = arith.cmpi slt, %add3A_115, %lt3A_116 : i32
      %convert_element_type3A_118 = arith.extui %lt3A_117 : i1 to i32
      %cond3A_119 = arith.constant 0 : i32
      %cond3A_120 = arith.cmpi ne, %convert_element_type3A_118, %cond3A_119 : i32
      scf.if %cond3A_120 {
        %ge3A = arith.constant 3 : i32
        %ge3A_222 = arith.cmpi sge, %add3A_113, %ge3A : i32
        %convert_element_type3A_223 = arith.extui %ge3A_222 : i1 to i32
        %cond3A_224 = arith.constant 0 : i32
        %cond3A_225 = arith.cmpi ne, %convert_element_type3A_223, %cond3A_224 : i32
        scf.if %cond3A_225 {
          %add3A_234 = arith.constant 3 : i32
          %add3A_235 = arith.addi %add3A_113, %add3A_234 : i32
          %sub3A = arith.constant 6 : i32
          %sub3A_236 = arith.subi %add3A_235, %sub3A : i32
          %mul3A_237 = arith.constant 128 : i32
          %mul3A_238 = arith.muli %sub3A_236, %mul3A_237 : i32
          %add3A_239 = arith.addi %mul3A_2, %mul3A_238 : i32
          %dma_wait3A_240 = arith.constant 0 : i32
          %dma_wait3A_241 = tpu.memref_slice %arg4[%add3A_239, %dma_wait3A_240] : memref<204800x128xf32, #tpu.memory_space<hbm>> -> memref<128x128xf32, #tpu.memory_space<hbm>>
          %dma_wait3A_242 = arith.constant 0 : i32
          %dma_wait3A_243 = tpu.memref_slice %arg4[%add3A_239, %dma_wait3A_242] : memref<204800x128xf32, #tpu.memory_space<hbm>> -> memref<128x128xf32, #tpu.memory_space<hbm>>
          tpu.wait_dma2 semaphore(%arg22 : memref<!tpu.dma_semaphore, #tpu.memory_space<semaphore_mem>>) src(%arg10 : memref<128x128xf32, #tpu.memory_space<vmem>>) dst(%dma_wait3A_243 : memref<128x128xf32, #tpu.memory_space<hbm>>)
        } else {
        }
        %add3A_226 = arith.constant 3 : i32
        %add3A_227 = arith.addi %add3A_113, %add3A_226 : i32
        %dma_start3A_228 = arith.constant 0 : i32
        %dma_start3A_229 = tpu.memref_slice %arg5[%add3A_227, %dma_start3A_228] : memref<50x128xi32, #tpu.memory_space<vmem>> -> memref<1x128xi32, #tpu.memory_space<vmem>>
        %dma_start3A_230 = tpu.memref_squeeze %dma_start3A_229 : memref<1x128xi32, #tpu.memory_space<vmem>> -> memref<128xi32, #tpu.memory_space<vmem>>
        %dma_start3A_231 = arith.constant 0 : i32
        %dma_start3A_232 = arith.constant 0 : i32
        %dma_start3A_233 = tpu.memref_slice %arg3[%dma_start3A_231, %dma_start3A_232] : memref<100000x128xf32, #tpu.memory_space<hbm>> -> memref<100000x128xf32, #tpu.memory_space<hbm>>
        tpu.enqueue_indirect_dma source(%dma_start3A_233 : memref<100000x128xf32, #tpu.memory_space<hbm>>) target(%arg10 : memref<128x128xf32, #tpu.memory_space<vmem>>) offsets(%dma_start3A_230 : memref<128xi32, #tpu.memory_space<vmem>>) semaphore(%arg16 : memref<!tpu.dma_semaphore, #tpu.memory_space<semaphore_mem>>)
      } else {
      }
      %dma_wait3A_121 = arith.constant 0 : i32
      %dma_wait3A_122 = tpu.memref_slice %arg5[%add3A_113, %dma_wait3A_121] : memref<50x128xi32, #tpu.memory_space<vmem>> -> memref<1x128xi32, #tpu.memory_space<vmem>>
      %dma_wait3A_123 = tpu.memref_squeeze %dma_wait3A_122 : memref<1x128xi32, #tpu.memory_space<vmem>> -> memref<128xi32, #tpu.memory_space<vmem>>
      %dma_wait3A_124 = arith.constant 0 : i32
      %dma_wait3A_125 = arith.constant 0 : i32
      %dma_wait3A_126 = tpu.memref_slice %arg3[%dma_wait3A_124, %dma_wait3A_125] : memref<100000x128xf32, #tpu.memory_space<hbm>> -> memref<100000x128xf32, #tpu.memory_space<hbm>>
      tpu.wait_indirect_dma semaphore(%arg13 : memref<!tpu.dma_semaphore, #tpu.memory_space<semaphore_mem>>) src(%dma_wait3A_126 : memref<100000x128xf32, #tpu.memory_space<hbm>>) dst(%arg7 : memref<128x128xf32, #tpu.memory_space<vmem>>)
      %mul3A_127 = arith.constant 128 : i32
      %mul3A_128 = arith.muli %add3A_113, %mul3A_127 : i32
      %add3A_129 = arith.addi %mul3A_2, %mul3A_128 : i32
      %dma_start3A_130 = arith.constant 0 : i32
      %dma_start3A_131 = tpu.memref_slice %arg4[%add3A_129, %dma_start3A_130] : memref<204800x128xf32, #tpu.memory_space<hbm>> -> memref<128x128xf32, #tpu.memory_space<hbm>>
      %dma_start3A_132 = arith.constant 0 : i32
      %dma_start3A_133 = tpu.memref_slice %arg4[%add3A_129, %dma_start3A_132] : memref<204800x128xf32, #tpu.memory_space<hbm>> -> memref<128x128xf32, #tpu.memory_space<hbm>>
      tpu.enqueue_dma source(%arg7 : memref<128x128xf32, #tpu.memory_space<vmem>>) target(%dma_start3A_133 : memref<128x128xf32, #tpu.memory_space<hbm>>) target_semaphore(%arg19 : memref<!tpu.dma_semaphore, #tpu.memory_space<semaphore_mem>>)
      %add3A_134 = arith.constant 2 : i32
      %add3A_135 = arith.addi %add3A_92, %add3A_134 : i32
      %add3A_136 = arith.constant 3 : i32
      %add3A_137 = arith.addi %add3A_135, %add3A_136 : i32
      %lt3A_138 = arith.constant 50 : i32
      %lt3A_139 = arith.cmpi slt, %add3A_137, %lt3A_138 : i32
      %convert_element_type3A_140 = arith.extui %lt3A_139 : i1 to i32
      %cond3A_141 = arith.constant 0 : i32
      %cond3A_142 = arith.cmpi ne, %convert_element_type3A_140, %cond3A_141 : i32
      scf.if %cond3A_142 {
        %ge3A = arith.constant 3 : i32
        %ge3A_222 = arith.cmpi sge, %add3A_135, %ge3A : i32
        %convert_element_type3A_223 = arith.extui %ge3A_222 : i1 to i32
        %cond3A_224 = arith.constant 0 : i32
        %cond3A_225 = arith.cmpi ne, %convert_element_type3A_223, %cond3A_224 : i32
        scf.if %cond3A_225 {
          %add3A_234 = arith.constant 3 : i32
          %add3A_235 = arith.addi %add3A_135, %add3A_234 : i32
          %sub3A = arith.constant 6 : i32
          %sub3A_236 = arith.subi %add3A_235, %sub3A : i32
          %mul3A_237 = arith.constant 128 : i32
          %mul3A_238 = arith.muli %sub3A_236, %mul3A_237 : i32
          %add3A_239 = arith.addi %mul3A_2, %mul3A_238 : i32
          %dma_wait3A_240 = arith.constant 0 : i32
          %dma_wait3A_241 = tpu.memref_slice %arg4[%add3A_239, %dma_wait3A_240] : memref<204800x128xf32, #tpu.memory_space<hbm>> -> memref<128x128xf32, #tpu.memory_space<hbm>>
          %dma_wait3A_242 = arith.constant 0 : i32
          %dma_wait3A_243 = tpu.memref_slice %arg4[%add3A_239, %dma_wait3A_242] : memref<204800x128xf32, #tpu.memory_space<hbm>> -> memref<128x128xf32, #tpu.memory_space<hbm>>
          tpu.wait_dma2 semaphore(%arg23 : memref<!tpu.dma_semaphore, #tpu.memory_space<semaphore_mem>>) src(%arg11 : memref<128x128xf32, #tpu.memory_space<vmem>>) dst(%dma_wait3A_243 : memref<128x128xf32, #tpu.memory_space<hbm>>)
        } else {
        }
        %add3A_226 = arith.constant 3 : i32
        %add3A_227 = arith.addi %add3A_135, %add3A_226 : i32
        %dma_start3A_228 = arith.constant 0 : i32
        %dma_start3A_229 = tpu.memref_slice %arg5[%add3A_227, %dma_start3A_228] : memref<50x128xi32, #tpu.memory_space<vmem>> -> memref<1x128xi32, #tpu.memory_space<vmem>>
        %dma_start3A_230 = tpu.memref_squeeze %dma_start3A_229 : memref<1x128xi32, #tpu.memory_space<vmem>> -> memref<128xi32, #tpu.memory_space<vmem>>
        %dma_start3A_231 = arith.constant 0 : i32
        %dma_start3A_232 = arith.constant 0 : i32
        %dma_start3A_233 = tpu.memref_slice %arg3[%dma_start3A_231, %dma_start3A_232] : memref<100000x128xf32, #tpu.memory_space<hbm>> -> memref<100000x128xf32, #tpu.memory_space<hbm>>
        tpu.enqueue_indirect_dma source(%dma_start3A_233 : memref<100000x128xf32, #tpu.memory_space<hbm>>) target(%arg11 : memref<128x128xf32, #tpu.memory_space<vmem>>) offsets(%dma_start3A_230 : memref<128xi32, #tpu.memory_space<vmem>>) semaphore(%arg17 : memref<!tpu.dma_semaphore, #tpu.memory_space<semaphore_mem>>)
      } else {
      }
      %dma_wait3A_143 = arith.constant 0 : i32
      %dma_wait3A_144 = tpu.memref_slice %arg5[%add3A_135, %dma_wait3A_143] : memref<50x128xi32, #tpu.memory_space<vmem>> -> memref<1x128xi32, #tpu.memory_space<vmem>>
      %dma_wait3A_145 = tpu.memref_squeeze %dma_wait3A_144 : memref<1x128xi32, #tpu.memory_space<vmem>> -> memref<128xi32, #tpu.memory_space<vmem>>
      %dma_wait3A_146 = arith.constant 0 : i32
      %dma_wait3A_147 = arith.constant 0 : i32
      %dma_wait3A_148 = tpu.memref_slice %arg3[%dma_wait3A_146, %dma_wait3A_147] : memref<100000x128xf32, #tpu.memory_space<hbm>> -> memref<100000x128xf32, #tpu.memory_space<hbm>>
      tpu.wait_indirect_dma semaphore(%arg14 : memref<!tpu.dma_semaphore, #tpu.memory_space<semaphore_mem>>) src(%dma_wait3A_148 : memref<100000x128xf32, #tpu.memory_space<hbm>>) dst(%arg8 : memref<128x128xf32, #tpu.memory_space<vmem>>)
      %mul3A_149 = arith.constant 128 : i32
      %mul3A_150 = arith.muli %add3A_135, %mul3A_149 : i32
      %add3A_151 = arith.addi %mul3A_2, %mul3A_150 : i32
      %dma_start3A_152 = arith.constant 0 : i32
      %dma_start3A_153 = tpu.memref_slice %arg4[%add3A_151, %dma_start3A_152] : memref<204800x128xf32, #tpu.memory_space<hbm>> -> memref<128x128xf32, #tpu.memory_space<hbm>>
      %dma_start3A_154 = arith.constant 0 : i32
      %dma_start3A_155 = tpu.memref_slice %arg4[%add3A_151, %dma_start3A_154] : memref<204800x128xf32, #tpu.memory_space<hbm>> -> memref<128x128xf32, #tpu.memory_space<hbm>>
      tpu.enqueue_dma source(%arg8 : memref<128x128xf32, #tpu.memory_space<vmem>>) target(%dma_start3A_155 : memref<128x128xf32, #tpu.memory_space<hbm>>) target_semaphore(%arg20 : memref<!tpu.dma_semaphore, #tpu.memory_space<semaphore_mem>>)
      %add3A_156 = arith.constant 3 : i32
      %add3A_157 = arith.addi %add3A_92, %add3A_156 : i32
      %add3A_158 = arith.constant 3 : i32
      %add3A_159 = arith.addi %add3A_157, %add3A_158 : i32
      %lt3A_160 = arith.constant 50 : i32
      %lt3A_161 = arith.cmpi slt, %add3A_159, %lt3A_160 : i32
      %convert_element_type3A_162 = arith.extui %lt3A_161 : i1 to i32
      %cond3A_163 = arith.constant 0 : i32
      %cond3A_164 = arith.cmpi ne, %convert_element_type3A_162, %cond3A_163 : i32
      scf.if %cond3A_164 {
        %ge3A = arith.constant 3 : i32
        %ge3A_222 = arith.cmpi sge, %add3A_157, %ge3A : i32
        %convert_element_type3A_223 = arith.extui %ge3A_222 : i1 to i32
        %cond3A_224 = arith.constant 0 : i32
        %cond3A_225 = arith.cmpi ne, %convert_element_type3A_223, %cond3A_224 : i32
        scf.if %cond3A_225 {
          %add3A_234 = arith.constant 3 : i32
          %add3A_235 = arith.addi %add3A_157, %add3A_234 : i32
          %sub3A = arith.constant 6 : i32
          %sub3A_236 = arith.subi %add3A_235, %sub3A : i32
          %mul3A_237 = arith.constant 128 : i32
          %mul3A_238 = arith.muli %sub3A_236, %mul3A_237 : i32
          %add3A_239 = arith.addi %mul3A_2, %mul3A_238 : i32
          %dma_wait3A_240 = arith.constant 0 : i32
          %dma_wait3A_241 = tpu.memref_slice %arg4[%add3A_239, %dma_wait3A_240] : memref<204800x128xf32, #tpu.memory_space<hbm>> -> memref<128x128xf32, #tpu.memory_space<hbm>>
          %dma_wait3A_242 = arith.constant 0 : i32
          %dma_wait3A_243 = tpu.memref_slice %arg4[%add3A_239, %dma_wait3A_242] : memref<204800x128xf32, #tpu.memory_space<hbm>> -> memref<128x128xf32, #tpu.memory_space<hbm>>
          tpu.wait_dma2 semaphore(%arg18 : memref<!tpu.dma_semaphore, #tpu.memory_space<semaphore_mem>>) src(%arg6 : memref<128x128xf32, #tpu.memory_space<vmem>>) dst(%dma_wait3A_243 : memref<128x128xf32, #tpu.memory_space<hbm>>)
        } else {
        }
        %add3A_226 = arith.constant 3 : i32
        %add3A_227 = arith.addi %add3A_157, %add3A_226 : i32
        %dma_start3A_228 = arith.constant 0 : i32
        %dma_start3A_229 = tpu.memref_slice %arg5[%add3A_227, %dma_start3A_228] : memref<50x128xi32, #tpu.memory_space<vmem>> -> memref<1x128xi32, #tpu.memory_space<vmem>>
        %dma_start3A_230 = tpu.memref_squeeze %dma_start3A_229 : memref<1x128xi32, #tpu.memory_space<vmem>> -> memref<128xi32, #tpu.memory_space<vmem>>
        %dma_start3A_231 = arith.constant 0 : i32
        %dma_start3A_232 = arith.constant 0 : i32
        %dma_start3A_233 = tpu.memref_slice %arg3[%dma_start3A_231, %dma_start3A_232] : memref<100000x128xf32, #tpu.memory_space<hbm>> -> memref<100000x128xf32, #tpu.memory_space<hbm>>
        tpu.enqueue_indirect_dma source(%dma_start3A_233 : memref<100000x128xf32, #tpu.memory_space<hbm>>) target(%arg6 : memref<128x128xf32, #tpu.memory_space<vmem>>) offsets(%dma_start3A_230 : memref<128xi32, #tpu.memory_space<vmem>>) semaphore(%arg12 : memref<!tpu.dma_semaphore, #tpu.memory_space<semaphore_mem>>)
      } else {
      }
      %dma_wait3A_165 = arith.constant 0 : i32
      %dma_wait3A_166 = tpu.memref_slice %arg5[%add3A_157, %dma_wait3A_165] : memref<50x128xi32, #tpu.memory_space<vmem>> -> memref<1x128xi32, #tpu.memory_space<vmem>>
      %dma_wait3A_167 = tpu.memref_squeeze %dma_wait3A_166 : memref<1x128xi32, #tpu.memory_space<vmem>> -> memref<128xi32, #tpu.memory_space<vmem>>
      %dma_wait3A_168 = arith.constant 0 : i32
      %dma_wait3A_169 = arith.constant 0 : i32
      %dma_wait3A_170 = tpu.memref_slice %arg3[%dma_wait3A_168, %dma_wait3A_169] : memref<100000x128xf32, #tpu.memory_space<hbm>> -> memref<100000x128xf32, #tpu.memory_space<hbm>>
      tpu.wait_indirect_dma semaphore(%arg15 : memref<!tpu.dma_semaphore, #tpu.memory_space<semaphore_mem>>) src(%dma_wait3A_170 : memref<100000x128xf32, #tpu.memory_space<hbm>>) dst(%arg9 : memref<128x128xf32, #tpu.memory_space<vmem>>)
      %mul3A_171 = arith.constant 128 : i32
      %mul3A_172 = arith.muli %add3A_157, %mul3A_171 : i32
      %add3A_173 = arith.addi %mul3A_2, %mul3A_172 : i32
      %dma_start3A_174 = arith.constant 0 : i32
      %dma_start3A_175 = tpu.memref_slice %arg4[%add3A_173, %dma_start3A_174] : memref<204800x128xf32, #tpu.memory_space<hbm>> -> memref<128x128xf32, #tpu.memory_space<hbm>>
      %dma_start3A_176 = arith.constant 0 : i32
      %dma_start3A_177 = tpu.memref_slice %arg4[%add3A_173, %dma_start3A_176] : memref<204800x128xf32, #tpu.memory_space<hbm>> -> memref<128x128xf32, #tpu.memory_space<hbm>>
      tpu.enqueue_dma source(%arg9 : memref<128x128xf32, #tpu.memory_space<vmem>>) target(%dma_start3A_177 : memref<128x128xf32, #tpu.memory_space<hbm>>) target_semaphore(%arg21 : memref<!tpu.dma_semaphore, #tpu.memory_space<semaphore_mem>>)
      %add3A_178 = arith.constant 4 : i32
      %add3A_179 = arith.addi %add3A_92, %add3A_178 : i32
      %add3A_180 = arith.constant 3 : i32
      %add3A_181 = arith.addi %add3A_179, %add3A_180 : i32
      %lt3A_182 = arith.constant 50 : i32
      %lt3A_183 = arith.cmpi slt, %add3A_181, %lt3A_182 : i32
      %convert_element_type3A_184 = arith.extui %lt3A_183 : i1 to i32
      %cond3A_185 = arith.constant 0 : i32
      %cond3A_186 = arith.cmpi ne, %convert_element_type3A_184, %cond3A_185 : i32
      scf.if %cond3A_186 {
        %ge3A = arith.constant 3 : i32
        %ge3A_222 = arith.cmpi sge, %add3A_179, %ge3A : i32
        %convert_element_type3A_223 = arith.extui %ge3A_222 : i1 to i32
        %cond3A_224 = arith.constant 0 : i32
        %cond3A_225 = arith.cmpi ne, %convert_element_type3A_223, %cond3A_224 : i32
        scf.if %cond3A_225 {
          %add3A_234 = arith.constant 3 : i32
          %add3A_235 = arith.addi %add3A_179, %add3A_234 : i32
          %sub3A = arith.constant 6 : i32
          %sub3A_236 = arith.subi %add3A_235, %sub3A : i32
          %mul3A_237 = arith.constant 128 : i32
          %mul3A_238 = arith.muli %sub3A_236, %mul3A_237 : i32
          %add3A_239 = arith.addi %mul3A_2, %mul3A_238 : i32
          %dma_wait3A_240 = arith.constant 0 : i32
          %dma_wait3A_241 = tpu.memref_slice %arg4[%add3A_239, %dma_wait3A_240] : memref<204800x128xf32, #tpu.memory_space<hbm>> -> memref<128x128xf32, #tpu.memory_space<hbm>>
          %dma_wait3A_242 = arith.constant 0 : i32
          %dma_wait3A_243 = tpu.memref_slice %arg4[%add3A_239, %dma_wait3A_242] : memref<204800x128xf32, #tpu.memory_space<hbm>> -> memref<128x128xf32, #tpu.memory_space<hbm>>
          tpu.wait_dma2 semaphore(%arg19 : memref<!tpu.dma_semaphore, #tpu.memory_space<semaphore_mem>>) src(%arg7 : memref<128x128xf32, #tpu.memory_space<vmem>>) dst(%dma_wait3A_243 : memref<128x128xf32, #tpu.memory_space<hbm>>)
        } else {
        }
        %add3A_226 = arith.constant 3 : i32
        %add3A_227 = arith.addi %add3A_179, %add3A_226 : i32
        %dma_start3A_228 = arith.constant 0 : i32
        %dma_start3A_229 = tpu.memref_slice %arg5[%add3A_227, %dma_start3A_228] : memref<50x128xi32, #tpu.memory_space<vmem>> -> memref<1x128xi32, #tpu.memory_space<vmem>>
        %dma_start3A_230 = tpu.memref_squeeze %dma_start3A_229 : memref<1x128xi32, #tpu.memory_space<vmem>> -> memref<128xi32, #tpu.memory_space<vmem>>
        %dma_start3A_231 = arith.constant 0 : i32
        %dma_start3A_232 = arith.constant 0 : i32
        %dma_start3A_233 = tpu.memref_slice %arg3[%dma_start3A_231, %dma_start3A_232] : memref<100000x128xf32, #tpu.memory_space<hbm>> -> memref<100000x128xf32, #tpu.memory_space<hbm>>
        tpu.enqueue_indirect_dma source(%dma_start3A_233 : memref<100000x128xf32, #tpu.memory_space<hbm>>) target(%arg7 : memref<128x128xf32, #tpu.memory_space<vmem>>) offsets(%dma_start3A_230 : memref<128xi32, #tpu.memory_space<vmem>>) semaphore(%arg13 : memref<!tpu.dma_semaphore, #tpu.memory_space<semaphore_mem>>)
      } else {
      }
      %dma_wait3A_187 = arith.constant 0 : i32
      %dma_wait3A_188 = tpu.memref_slice %arg5[%add3A_179, %dma_wait3A_187] : memref<50x128xi32, #tpu.memory_space<vmem>> -> memref<1x128xi32, #tpu.memory_space<vmem>>
      %dma_wait3A_189 = tpu.memref_squeeze %dma_wait3A_188 : memref<1x128xi32, #tpu.memory_space<vmem>> -> memref<128xi32, #tpu.memory_space<vmem>>
      %dma_wait3A_190 = arith.constant 0 : i32
      %dma_wait3A_191 = arith.constant 0 : i32
      %dma_wait3A_192 = tpu.memref_slice %arg3[%dma_wait3A_190, %dma_wait3A_191] : memref<100000x128xf32, #tpu.memory_space<hbm>> -> memref<100000x128xf32, #tpu.memory_space<hbm>>
      tpu.wait_indirect_dma semaphore(%arg16 : memref<!tpu.dma_semaphore, #tpu.memory_space<semaphore_mem>>) src(%dma_wait3A_192 : memref<100000x128xf32, #tpu.memory_space<hbm>>) dst(%arg10 : memref<128x128xf32, #tpu.memory_space<vmem>>)
      %mul3A_193 = arith.constant 128 : i32
      %mul3A_194 = arith.muli %add3A_179, %mul3A_193 : i32
      %add3A_195 = arith.addi %mul3A_2, %mul3A_194 : i32
      %dma_start3A_196 = arith.constant 0 : i32
      %dma_start3A_197 = tpu.memref_slice %arg4[%add3A_195, %dma_start3A_196] : memref<204800x128xf32, #tpu.memory_space<hbm>> -> memref<128x128xf32, #tpu.memory_space<hbm>>
      %dma_start3A_198 = arith.constant 0 : i32
      %dma_start3A_199 = tpu.memref_slice %arg4[%add3A_195, %dma_start3A_198] : memref<204800x128xf32, #tpu.memory_space<hbm>> -> memref<128x128xf32, #tpu.memory_space<hbm>>
      tpu.enqueue_dma source(%arg10 : memref<128x128xf32, #tpu.memory_space<vmem>>) target(%dma_start3A_199 : memref<128x128xf32, #tpu.memory_space<hbm>>) target_semaphore(%arg22 : memref<!tpu.dma_semaphore, #tpu.memory_space<semaphore_mem>>)
      %add3A_200 = arith.constant 5 : i32
      %add3A_201 = arith.addi %add3A_92, %add3A_200 : i32
      %add3A_202 = arith.constant 3 : i32
      %add3A_203 = arith.addi %add3A_201, %add3A_202 : i32
      %lt3A_204 = arith.constant 50 : i32
      %lt3A_205 = arith.cmpi slt, %add3A_203, %lt3A_204 : i32
      %convert_element_type3A_206 = arith.extui %lt3A_205 : i1 to i32
      %cond3A_207 = arith.constant 0 : i32
      %cond3A_208 = arith.cmpi ne, %convert_element_type3A_206, %cond3A_207 : i32
      scf.if %cond3A_208 {
        %ge3A = arith.constant 3 : i32
        %ge3A_222 = arith.cmpi sge, %add3A_201, %ge3A : i32
        %convert_element_type3A_223 = arith.extui %ge3A_222 : i1 to i32
        %cond3A_224 = arith.constant 0 : i32
        %cond3A_225 = arith.cmpi ne, %convert_element_type3A_223, %cond3A_224 : i32
        scf.if %cond3A_225 {
          %add3A_234 = arith.constant 3 : i32
          %add3A_235 = arith.addi %add3A_201, %add3A_234 : i32
          %sub3A = arith.constant 6 : i32
          %sub3A_236 = arith.subi %add3A_235, %sub3A : i32
          %mul3A_237 = arith.constant 128 : i32
          %mul3A_238 = arith.muli %sub3A_236, %mul3A_237 : i32
          %add3A_239 = arith.addi %mul3A_2, %mul3A_238 : i32
          %dma_wait3A_240 = arith.constant 0 : i32
          %dma_wait3A_241 = tpu.memref_slice %arg4[%add3A_239, %dma_wait3A_240] : memref<204800x128xf32, #tpu.memory_space<hbm>> -> memref<128x128xf32, #tpu.memory_space<hbm>>
          %dma_wait3A_242 = arith.constant 0 : i32
          %dma_wait3A_243 = tpu.memref_slice %arg4[%add3A_239, %dma_wait3A_242] : memref<204800x128xf32, #tpu.memory_space<hbm>> -> memref<128x128xf32, #tpu.memory_space<hbm>>
          tpu.wait_dma2 semaphore(%arg20 : memref<!tpu.dma_semaphore, #tpu.memory_space<semaphore_mem>>) src(%arg8 : memref<128x128xf32, #tpu.memory_space<vmem>>) dst(%dma_wait3A_243 : memref<128x128xf32, #tpu.memory_space<hbm>>)
        } else {
        }
        %add3A_226 = arith.constant 3 : i32
        %add3A_227 = arith.addi %add3A_201, %add3A_226 : i32
        %dma_start3A_228 = arith.constant 0 : i32
        %dma_start3A_229 = tpu.memref_slice %arg5[%add3A_227, %dma_start3A_228] : memref<50x128xi32, #tpu.memory_space<vmem>> -> memref<1x128xi32, #tpu.memory_space<vmem>>
        %dma_start3A_230 = tpu.memref_squeeze %dma_start3A_229 : memref<1x128xi32, #tpu.memory_space<vmem>> -> memref<128xi32, #tpu.memory_space<vmem>>
        %dma_start3A_231 = arith.constant 0 : i32
        %dma_start3A_232 = arith.constant 0 : i32
        %dma_start3A_233 = tpu.memref_slice %arg3[%dma_start3A_231, %dma_start3A_232] : memref<100000x128xf32, #tpu.memory_space<hbm>> -> memref<100000x128xf32, #tpu.memory_space<hbm>>
        tpu.enqueue_indirect_dma source(%dma_start3A_233 : memref<100000x128xf32, #tpu.memory_space<hbm>>) target(%arg8 : memref<128x128xf32, #tpu.memory_space<vmem>>) offsets(%dma_start3A_230 : memref<128xi32, #tpu.memory_space<vmem>>) semaphore(%arg14 : memref<!tpu.dma_semaphore, #tpu.memory_space<semaphore_mem>>)
      } else {
      }
      %dma_wait3A_209 = arith.constant 0 : i32
      %dma_wait3A_210 = tpu.memref_slice %arg5[%add3A_201, %dma_wait3A_209] : memref<50x128xi32, #tpu.memory_space<vmem>> -> memref<1x128xi32, #tpu.memory_space<vmem>>
      %dma_wait3A_211 = tpu.memref_squeeze %dma_wait3A_210 : memref<1x128xi32, #tpu.memory_space<vmem>> -> memref<128xi32, #tpu.memory_space<vmem>>
      %dma_wait3A_212 = arith.constant 0 : i32
      %dma_wait3A_213 = arith.constant 0 : i32
      %dma_wait3A_214 = tpu.memref_slice %arg3[%dma_wait3A_212, %dma_wait3A_213] : memref<100000x128xf32, #tpu.memory_space<hbm>> -> memref<100000x128xf32, #tpu.memory_space<hbm>>
      tpu.wait_indirect_dma semaphore(%arg17 : memref<!tpu.dma_semaphore, #tpu.memory_space<semaphore_mem>>) src(%dma_wait3A_214 : memref<100000x128xf32, #tpu.memory_space<hbm>>) dst(%arg11 : memref<128x128xf32, #tpu.memory_space<vmem>>)
      %mul3A_215 = arith.constant 128 : i32
      %mul3A_216 = arith.muli %add3A_201, %mul3A_215 : i32
      %add3A_217 = arith.addi %mul3A_2, %mul3A_216 : i32
      %dma_start3A_218 = arith.constant 0 : i32
      %dma_start3A_219 = tpu.memref_slice %arg4[%add3A_217, %dma_start3A_218] : memref<204800x128xf32, #tpu.memory_space<hbm>> -> memref<128x128xf32, #tpu.memory_space<hbm>>
      %dma_start3A_220 = arith.constant 0 : i32
      %dma_start3A_221 = tpu.memref_slice %arg4[%add3A_217, %dma_start3A_220] : memref<204800x128xf32, #tpu.memory_space<hbm>> -> memref<128x128xf32, #tpu.memory_space<hbm>>
      tpu.enqueue_dma source(%arg11 : memref<128x128xf32, #tpu.memory_space<vmem>>) target(%dma_start3A_221 : memref<128x128xf32, #tpu.memory_space<hbm>>) target_semaphore(%arg23 : memref<!tpu.dma_semaphore, #tpu.memory_space<semaphore_mem>>)
    }
    %scan3A_26 = arith.constant 8 : i32
    %dma_wait3A = arith.constant 48 : i32
    %dma_wait3A_27 = arith.constant 0 : i32
    %dma_wait3A_28 = tpu.memref_slice %arg5[%dma_wait3A, %dma_wait3A_27] : memref<50x128xi32, #tpu.memory_space<vmem>> -> memref<1x128xi32, #tpu.memory_space<vmem>>
    %dma_wait3A_29 = tpu.memref_squeeze %dma_wait3A_28 : memref<1x128xi32, #tpu.memory_space<vmem>> -> memref<128xi32, #tpu.memory_space<vmem>>
    %dma_wait3A_30 = arith.constant 0 : i32
    %dma_wait3A_31 = arith.constant 0 : i32
    %dma_wait3A_32 = tpu.memref_slice %arg3[%dma_wait3A_30, %dma_wait3A_31] : memref<100000x128xf32, #tpu.memory_space<hbm>> -> memref<100000x128xf32, #tpu.memory_space<hbm>>
    tpu.wait_indirect_dma semaphore(%arg12 : memref<!tpu.dma_semaphore, #tpu.memory_space<semaphore_mem>>) src(%dma_wait3A_32 : memref<100000x128xf32, #tpu.memory_space<hbm>>) dst(%arg6 : memref<128x128xf32, #tpu.memory_space<vmem>>)
    %add3A_33 = arith.constant 6144 : i32
    %add3A_34 = arith.addi %mul3A_2, %add3A_33 : i32
    %dma_start3A_35 = arith.constant 0 : i32
    %dma_start3A_36 = tpu.memref_slice %arg4[%add3A_34, %dma_start3A_35] : memref<204800x128xf32, #tpu.memory_space<hbm>> -> memref<128x128xf32, #tpu.memory_space<hbm>>
    %dma_start3A_37 = arith.constant 0 : i32
    %dma_start3A_38 = tpu.memref_slice %arg4[%add3A_34, %dma_start3A_37] : memref<204800x128xf32, #tpu.memory_space<hbm>> -> memref<128x128xf32, #tpu.memory_space<hbm>>
    tpu.enqueue_dma source(%arg6 : memref<128x128xf32, #tpu.memory_space<vmem>>) target(%dma_start3A_38 : memref<128x128xf32, #tpu.memory_space<hbm>>) target_semaphore(%arg18 : memref<!tpu.dma_semaphore, #tpu.memory_space<semaphore_mem>>)
    %dma_wait3A_39 = arith.constant 49 : i32
    %dma_wait3A_40 = arith.constant 0 : i32
    %dma_wait3A_41 = tpu.memref_slice %arg5[%dma_wait3A_39, %dma_wait3A_40] : memref<50x128xi32, #tpu.memory_space<vmem>> -> memref<1x128xi32, #tpu.memory_space<vmem>>
    %dma_wait3A_42 = tpu.memref_squeeze %dma_wait3A_41 : memref<1x128xi32, #tpu.memory_space<vmem>> -> memref<128xi32, #tpu.memory_space<vmem>>
    %dma_wait3A_43 = arith.constant 0 : i32
    %dma_wait3A_44 = arith.constant 0 : i32
    %dma_wait3A_45 = tpu.memref_slice %arg3[%dma_wait3A_43, %dma_wait3A_44] : memref<100000x128xf32, #tpu.memory_space<hbm>> -> memref<100000x128xf32, #tpu.memory_space<hbm>>
    tpu.wait_indirect_dma semaphore(%arg13 : memref<!tpu.dma_semaphore, #tpu.memory_space<semaphore_mem>>) src(%dma_wait3A_45 : memref<100000x128xf32, #tpu.memory_space<hbm>>) dst(%arg7 : memref<128x128xf32, #tpu.memory_space<vmem>>)
    %add3A_46 = arith.constant 6272 : i32
    %add3A_47 = arith.addi %mul3A_2, %add3A_46 : i32
    %dma_start3A_48 = arith.constant 0 : i32
    %dma_start3A_49 = tpu.memref_slice %arg4[%add3A_47, %dma_start3A_48] : memref<204800x128xf32, #tpu.memory_space<hbm>> -> memref<128x128xf32, #tpu.memory_space<hbm>>
    %dma_start3A_50 = arith.constant 0 : i32
    %dma_start3A_51 = tpu.memref_slice %arg4[%add3A_47, %dma_start3A_50] : memref<204800x128xf32, #tpu.memory_space<hbm>> -> memref<128x128xf32, #tpu.memory_space<hbm>>
    tpu.enqueue_dma source(%arg7 : memref<128x128xf32, #tpu.memory_space<vmem>>) target(%dma_start3A_51 : memref<128x128xf32, #tpu.memory_space<hbm>>) target_semaphore(%arg19 : memref<!tpu.dma_semaphore, #tpu.memory_space<semaphore_mem>>)
    %add3A_52 = arith.constant 5632 : i32
    %add3A_53 = arith.addi %mul3A_2, %add3A_52 : i32
    %dma_wait3A_54 = arith.constant 0 : i32
    %dma_wait3A_55 = tpu.memref_slice %arg4[%add3A_53, %dma_wait3A_54] : memref<204800x128xf32, #tpu.memory_space<hbm>> -> memref<128x128xf32, #tpu.memory_space<hbm>>
    %dma_wait3A_56 = arith.constant 0 : i32
    %dma_wait3A_57 = tpu.memref_slice %arg4[%add3A_53, %dma_wait3A_56] : memref<204800x128xf32, #tpu.memory_space<hbm>> -> memref<128x128xf32, #tpu.memory_space<hbm>>
    tpu.wait_dma2 semaphore(%arg20 : memref<!tpu.dma_semaphore, #tpu.memory_space<semaphore_mem>>) src(%arg8 : memref<128x128xf32, #tpu.memory_space<vmem>>) dst(%dma_wait3A_57 : memref<128x128xf32, #tpu.memory_space<hbm>>)
    %add3A_58 = arith.constant 5760 : i32
    %add3A_59 = arith.addi %mul3A_2, %add3A_58 : i32
    %dma_wait3A_60 = arith.constant 0 : i32
    %dma_wait3A_61 = tpu.memref_slice %arg4[%add3A_59, %dma_wait3A_60] : memref<204800x128xf32, #tpu.memory_space<hbm>> -> memref<128x128xf32, #tpu.memory_space<hbm>>
    %dma_wait3A_62 = arith.constant 0 : i32
    %dma_wait3A_63 = tpu.memref_slice %arg4[%add3A_59, %dma_wait3A_62] : memref<204800x128xf32, #tpu.memory_space<hbm>> -> memref<128x128xf32, #tpu.memory_space<hbm>>
    tpu.wait_dma2 semaphore(%arg21 : memref<!tpu.dma_semaphore, #tpu.memory_space<semaphore_mem>>) src(%arg9 : memref<128x128xf32, #tpu.memory_space<vmem>>) dst(%dma_wait3A_63 : memref<128x128xf32, #tpu.memory_space<hbm>>)
    %add3A_64 = arith.constant 5888 : i32
    %add3A_65 = arith.addi %mul3A_2, %add3A_64 : i32
    %dma_wait3A_66 = arith.constant 0 : i32
    %dma_wait3A_67 = tpu.memref_slice %arg4[%add3A_65, %dma_wait3A_66] : memref<204800x128xf32, #tpu.memory_space<hbm>> -> memref<128x128xf32, #tpu.memory_space<hbm>>
    %dma_wait3A_68 = arith.constant 0 : i32
    %dma_wait3A_69 = tpu.memref_slice %arg4[%add3A_65, %dma_wait3A_68] : memref<204800x128xf32, #tpu.memory_space<hbm>> -> memref<128x128xf32, #tpu.memory_space<hbm>>
    tpu.wait_dma2 semaphore(%arg22 : memref<!tpu.dma_semaphore, #tpu.memory_space<semaphore_mem>>) src(%arg10 : memref<128x128xf32, #tpu.memory_space<vmem>>) dst(%dma_wait3A_69 : memref<128x128xf32, #tpu.memory_space<hbm>>)
    %add3A_70 = arith.constant 6016 : i32
    %add3A_71 = arith.addi %mul3A_2, %add3A_70 : i32
    %dma_wait3A_72 = arith.constant 0 : i32
    %dma_wait3A_73 = tpu.memref_slice %arg4[%add3A_71, %dma_wait3A_72] : memref<204800x128xf32, #tpu.memory_space<hbm>> -> memref<128x128xf32, #tpu.memory_space<hbm>>
    %dma_wait3A_74 = arith.constant 0 : i32
    %dma_wait3A_75 = tpu.memref_slice %arg4[%add3A_71, %dma_wait3A_74] : memref<204800x128xf32, #tpu.memory_space<hbm>> -> memref<128x128xf32, #tpu.memory_space<hbm>>
    tpu.wait_dma2 semaphore(%arg23 : memref<!tpu.dma_semaphore, #tpu.memory_space<semaphore_mem>>) src(%arg11 : memref<128x128xf32, #tpu.memory_space<vmem>>) dst(%dma_wait3A_75 : memref<128x128xf32, #tpu.memory_space<hbm>>)
    %add3A_76 = arith.constant 6144 : i32
    %add3A_77 = arith.addi %mul3A_2, %add3A_76 : i32
    %dma_wait3A_78 = arith.constant 0 : i32
    %dma_wait3A_79 = tpu.memref_slice %arg4[%add3A_77, %dma_wait3A_78] : memref<204800x128xf32, #tpu.memory_space<hbm>> -> memref<128x128xf32, #tpu.memory_space<hbm>>
    %dma_wait3A_80 = arith.constant 0 : i32
    %dma_wait3A_81 = tpu.memref_slice %arg4[%add3A_77, %dma_wait3A_80] : memref<204800x128xf32, #tpu.memory_space<hbm>> -> memref<128x128xf32, #tpu.memory_space<hbm>>
    tpu.wait_dma2 semaphore(%arg18 : memref<!tpu.dma_semaphore, #tpu.memory_space<semaphore_mem>>) src(%arg6 : memref<128x128xf32, #tpu.memory_space<vmem>>) dst(%dma_wait3A_81 : memref<128x128xf32, #tpu.memory_space<hbm>>)
    %add3A_82 = arith.constant 6272 : i32
    %add3A_83 = arith.addi %mul3A_2, %add3A_82 : i32
    %dma_wait3A_84 = arith.constant 0 : i32
    %dma_wait3A_85 = tpu.memref_slice %arg4[%add3A_83, %dma_wait3A_84] : memref<204800x128xf32, #tpu.memory_space<hbm>> -> memref<128x128xf32, #tpu.memory_space<hbm>>
    %dma_wait3A_86 = arith.constant 0 : i32
    %dma_wait3A_87 = tpu.memref_slice %arg4[%add3A_83, %dma_wait3A_86] : memref<204800x128xf32, #tpu.memory_space<hbm>> -> memref<128x128xf32, #tpu.memory_space<hbm>>
    tpu.wait_dma2 semaphore(%arg19 : memref<!tpu.dma_semaphore, #tpu.memory_space<semaphore_mem>>) src(%arg7 : memref<128x128xf32, #tpu.memory_space<vmem>>) dst(%dma_wait3A_87 : memref<128x128xf32, #tpu.memory_space<hbm>>)
    return
  }
}

</mosaic_0001>

<sc_bundles>
// kernel: kernel.3.cloned.1.call-start
scs
__scs_entry_jumppad:
0x0: {  	(pc) =	sbr.rel $0x88, $3  }
0x1: {  	(tag) =	ssettag $0x0;
	lr =	simm.s32 $0x1  }
0x2: {  	[smem:$0x3F9F] =	sst lr;
	_ =	strace $0xD0000000  }
0x3: {  	_ = 	snop  }
0x4: {  	_ = 	snop  }
0x5: {  	_ = 	snop  }
0x6: {  	_ = 	snop  }
0x7: {  	_ = 	snop  }
__scs_overlays_trampoline_lowered:
0x8: {  	[smem:$0x3FAE] =	sst s0  }
0x9: {  	[smem:$0x3FAF] =	sst s1  }
0xa: {  	[smem:$0x3FB0] =	sst s2  }
0xb: {  	[smem:$0x3FB1] =	sst s3  }
0xc: {  	[smem:$0x3FB2] =	sst s4  }
0xd: {  	[smem:$0x3FB3] =	sst s5  }
0xe: {  	[smem:$0x3FB4] =	sst s6  }
0xf: {  	[smem:$0x3FB5] =	sst s7  }
0x10: {  	[smem:$0x3FB6] =	sst s8  }
0x11: {  	[smem:$0x3FB7] =	sst s9;
	s0 =	simm.s32 @!p0 $0x0  }
0x12: {  	s1 =	sld [smem:$0x3F9D];
	s0 =	simm.s32 @p0 $0x1  }
0x13: {  	[smem:$0x3FB8] =	sst s0;
	s0 =	simm.s32 @!p1 $0x0  }
0x14: {  	s2 =	sld [smem:$0x3F9C];
	s0 =	simm.s32 @p1 $0x1  }
0x15: {  	[smem:$0x3FB9] =	sst s0;
	s0 =	simm.s32 @!p2 $0x0  }
0x16: {  	s3 =	sld [smem:$0x3FDB];
	s0 =	simm.s32 @p2 $0x1  }
0x17: {  	s4 =	simm.s32 $0x1BF5;
	[smem:$0x3FBB] =	sst s0  }
0x18: {  	s0 =	sld [smem:$0x3F9E];
	_ =	swait.ge [sflag:s4], $0x0  }
0x19: {  	s7 =	sld [smem:$0x3F9F]  }
0x1a: {  	s8 =	sadd.s32 $0xFFFFE003, lr  }
0x1b: {  	s9 =	sadd.s32 $0xFFFFFEF7, lr;
	s5 =	simm.s32 $0xFFFFFFFF;
	p2 =	slt.u32 s8, $0xFFFFF086  }
0x1c: {  	p1 =	slt.u32 s9, $0xF7A;
	s5 =	simm.s32 @!p2 $0x0  }
0x1d: {  	s5 =	simm.s32 @p1 $0x1;
	p0 =	seq.s32 s7, s2  }
0x1e: {  	s7 =	smul.u32 @!p0 $0xF7A, s2;
	p2 =	seq.s32 @!p0 s5, $0x0  }
0x1f: {  	s9 =	smul.u32 $0xF7A, s1;
	s8 =	simm.s32 @!p0 $0x1BF5;
	p2 =	por !p2, p0  }
0x20: {  	[sflag:s8] =	ssyncset.s32 @!p0 $0xFFFFF086;
	s6 =	sadd.s32 @!p0 s3, s7;
	s7 =	simm.s32 @!p0 $0x108  }
0x21: {  	s3 =	sadd.s32 s3, s9;
	s6 =	sadd.s32 @!p0 $0x88, s6;
	s7 =	simm.s32 @p2 $0x1082  }
0x22: {  	[simem:s7], [sflag:s8] =	dma.local @!p0 [hbm:s6], $0xF7A  }
0x23: {  	s9 =	sor.u32 $0xD0000000, s2;
	s6 =	simm.s32 $0x108;
	_ =	swait.ge @!p0 [sflag:s8], $0x0  }
0x24: {  	s3 =	sadd.s32 $0x88, s3;
	s6 =	simm.s32 @!p1 $0x1082;
	[sflag:s4] =	ssyncset.s32 $0xFFFFF086  }
0x25: {  	[simem:s6], [sflag:s4] =	dma.local [hbm:s3], $0xF7A  }
0x26: {  	[smem:$0x3F9F] =	sst s1;
	(tag) =	ssettag s2;
	_ =	strace s9  }
0x27: {  	s1 =	sld [smem:$0x3FAF]  }
0x28: {  	s2 =	sld [smem:$0x3FB0]  }
0x29: {  	s4 =	sld [smem:$0x3FB2]  }
0x2a: {  	p0 =	seq.s32 s5, $0x0;
	s5 =	sld [smem:$0x3FB3]  }
0x2b: {  	s6 =	sld [smem:$0x3FB4]  }
0x2c: {  	s7 =	sld [smem:$0x3FB5]  }
0x2d: {  	s3 =	simm.s32 $0x108;
	s8 =	sld [smem:$0x3FB6]  }
0x2e: {  	s3 =	simm.s32 @!p0 $0x1082;
	s9 =	sld [smem:$0x3FB7]  }
0x2f: {  	lr =	sadd.s32 s0, s3;
	s0 =	sld [smem:$0x3FAE]  }
0x30: {  	s3 =	sld [smem:$0x3FB1]  }
0x31: {  	[smem:$0x3FBA] =	sst s10  }
0x32: {  	s10 =	sld [smem:$0x3FB8];
	_ =	sdelay $0x3  }
0x33: {  	p0 =	seq.s32 s10, $0x1;
	s10 =	sld [smem:$0x3FBA];
	_ =	sdelay $0x3  }
0x34: {  	[smem:$0x3FBA] =	sst s10  }
0x35: {  	s10 =	sld [smem:$0x3FB9];
	_ =	sdelay $0x3  }
0x36: {  	p1 =	seq.s32 s10, $0x1;
	s10 =	sld [smem:$0x3FBA];
	_ =	sdelay $0x3  }
0x37: {  	[smem:$0x3FBA] =	sst s10  }
0x38: {  	s10 =	sld [smem:$0x3FBB]  }
0x39: {  	_ = 	snop;
	(pc) =	sbr.ind lr, $3  }
0x3a: {  	_ = 	snop  }
0x3b: {  	_ = 	snop  }
0x3c: {  	p2 =	seq.s32 s10, $0x1;
	s10 =	sld [smem:$0x3FBA]  }
0x3d: {  	_ =	shalt  }
0x3e: {  	_ =	shalt  }
0x3f: {  	_ =	shalt  }
0x40: {  	_ =	shalt  }
0x41: {  	_ =	shalt  }
0x42: {  	_ =	shalt  }
0x43: {  	_ =	shalt  }
0x44: {  	_ =	shalt  }
0x45: {  	_ =	shalt  }
0x46: {  	_ =	shalt  }
0x47: {  	_ =	shalt  }
0x48: {  	_ =	shalt  }
0x49: {  	_ =	shalt  }
0x4a: {  	_ =	shalt  }
0x4b: {  	_ =	shalt  }
0x4c: {  	_ =	shalt  }
0x4d: {  	_ =	shalt  }
0x4e: {  	_ =	shalt  }
0x4f: {  	_ =	shalt  }
0x50: {  	_ =	shalt  }
0x51: {  	_ =	shalt  }
0x52: {  	_ =	shalt  }
0x53: {  	_ =	shalt  }
0x54: {  	_ =	shalt  }
0x55: {  	_ =	shalt  }
0x56: {  	_ =	shalt  }
0x57: {  	_ =	shalt  }
0x58: {  	_ =	shalt  }
0x59: {  	_ =	shalt  }
0x5a: {  	_ =	shalt  }
0x5b: {  	_ =	shalt  }
0x5c: {  	_ =	shalt  }
0x5d: {  	_ =	shalt  }
0x5e: {  	_ =	shalt  }
0x5f: {  	_ =	shalt  }
0x60: {  	_ =	shalt  }
0x61: {  	_ =	shalt  }
0x62: {  	_ =	shalt  }
0x63: {  	_ =	shalt  }
0x64: {  	_ =	shalt  }
0x65: {  	_ =	shalt  }
0x66: {  	_ =	shalt  }
0x67: {  	_ =	shalt  }
0x68: {  	_ =	shalt  }
0x69: {  	_ =	shalt  }
0x6a: {  	_ =	shalt  }
0x6b: {  	_ =	shalt  }
0x6c: {  	_ =	shalt  }
0x6d: {  	_ =	shalt  }
0x6e: {  	_ =	shalt  }
0x6f: {  	_ =	shalt  }
0x70: {  	_ =	shalt  }
0x71: {  	_ =	shalt  }
0x72: {  	_ =	shalt  }
0x73: {  	_ =	shalt  }
0x74: {  	_ =	shalt  }
0x75: {  	_ =	shalt  }
0x76: {  	_ =	shalt  }
0x77: {  	_ =	shalt  }
0x78: {  	_ =	shalt  }
0x79: {  	_ =	shalt  }
0x7a: {  	_ =	shalt  }
0x7b: {  	_ =	shalt  }
0x7c: {  	_ =	shalt  }
0x7d: {  	_ =	shalt  }
0x7e: {  	_ =	shalt  }
0x7f: {  	_ =	shalt  }
0x80: {  	_ =	shalt  }
0x81: {  	_ =	shalt  }
0x82: {  	_ =	shalt  }
0x83: {  	_ =	shalt  }
0x84: {  	_ =	shalt  }
0x85: {  	_ =	shalt  }
0x86: {  	_ =	shalt  }
0x87: {  	_ =	shalt  }
.Lfunc_end0:
.L_simem_size_0:
called_computation_lowered:
.L_overlay_start_0:
0x88: {  	s2 =	sld [smem:$0x3FD9]  }
0x89: {  	s3 =	sld [smem:$0x3FFE];
	_ =	sdelay $0x1  }
0x8a: {  	s1 =	srdreg.scid  }
0x8b: {  	s0 =	sand.u32 $0x1, s1  }
0x8c: {  	s17 =	sshll.u32 s0, $0xA;
	s2 =	sadd.s32 s3, s2  }
0x8d: {  	s2 =	sadd.s32 s2, s17  }
0x8e: {  	[smem:$0x3FC6] =	sst s2  }
0x8f: {  	_ = 	snop  }
0x90: {  	s2 =	sld [smem:$0x3FC8]  }
0x91: {  	s18 =	sld [smem:$0x3FD0];
	(tm) =	ssettm $0x1  }
0x92: {  	s4 =	sld [smem:$0x3FFB];
	_ =	sdelay $0x3  }
0x93: {  	_ =	strace s4  }
0x94: {  	s4 =	sld [smem:$0x3FFC];
	_ =	sdelay $0x3  }
0x95: {  	_ =	strace s4  }
0x96: {  	s4 =	sld [smem:$0x3FFD];
	_ =	sdelay $0x3  }
0x97: {  	_ =	strace s4  }
0x98: {  	_ =	strace $0x8FFFFFFF  }
0x99: {  	s19 =	sld [smem:$0x3FDB];
	_ =	sdelay $0x1  }
0x9a: {  	s5 =	simm.s32 $_scs_section_size  }
0x9b: {  	s6 =	simm.s32 $_size__tile_overlayer_lowered;
	s7 =	simm.s32 $_tile_overlayer_lowered  }
0x9c: {  	s22 =	simm.s32 $0x1BFF;
	s21 =	sshll.u32 s7, $0x1;
	s4 =	sadd.s32 s5, s19  }
0x9d: {  	s8 =	simm.s32 $0x0;
	s20 =	sshll.u32 s6, $0x1;
	s6 =	sadd.s32 s21, s4  }
0x9e: {  	[timem:s8], [sflag:s22] =	dma.local [hbm:s6], s20  }
0x9f: {  	_ =	swait.ge [sflag:s22], s20  }
0xa0: {  	s5 =	ssub.s32 $0x0, s20;
	[sflag:s22] =	ssyncset.done $0x0  }
0xa1: {  	[sflag:s22] =	ssyncadd.s32 s5;
	_ =	sdelay $0x1  }
0xa2: {  	s23 =	simm.s32 $0x1B8B  }
0xa3: {  	_ =	swait.ge [sflag:s23], $0x1  }
0xa4: {  	[sflag:s23] =	ssyncset.done $0x0  }
0xa5: {  	s25 =	simm.s32 $0x1B8E;
	s24 =	sld [smem:$0x3FFE];
	[sflag:s23] =	ssyncadd.s32 $0xFFFFFFFF  }
0xa6: {  	s26 =	simm.s32 $execute0_lowered;
	[smem:$0x3FD2] =	sst s25  }
0xa7: {  	s6 =	sshll.u32 s26, $0x1;
	_ =	strace $0x80000046;
	[dreg:$0x1] =	wrdreg $0xFFFFFFFF  }
0xa8: {  	s28 =	simm.s32 $_size_execute0_lowered;
	s4 =	sadd.s32 s4, s6;
	[dreg:$0x0] =	wrdreg $0x0  }
0xa9: {  	s6 =	sshll.u32 s28, $0x1;
	[dreg:$0x2] =	wrdreg s4  }
0xaa: {  	[dreg:$0x3] =	wrdreg s6  }
0xab: {  	[dreg:$0x4] =	wrdreg $0xC0  }
0xac: {  	_ =	task [dreg:s8], $0x5FFFF  }
0xad: {  	[dreg:$0x1] =	wrdreg $0xFFFFFFFF  }
0xae: {  	[dreg:$0x0] =	wrdreg $0x60  }
0xaf: {  	[dreg:$0x2] =	wrdreg s24  }
0xb0: {  	[dreg:$0x3] =	wrdreg s2  }
0xb1: {  	[dreg:$0x4] =	wrdreg s18  }
0xb2: {  	[dreg:$0x5] =	wrdreg $0x9  }
0xb3: {  	_ =	task.clear_ibuf [dreg:s8], $0x6FFFF;
	_ =	strace $0x90000046  }
0xb4: {  	s29 =	simm.s32 $0x9;
	_ =	strace $0x80000048  }
0xb5: {  	_ =	swait.ge [sflag:s29], $0x1  }
0xb6: {  	[sflag:s29] =	ssyncadd.s32 $0xFFFFFFFF  }
0xb7: {  	_ =	strace $0x90000048  }
0xb8: {  	_ =	sfence  }
0xb9: {  	s30 =	sld [smem:$0x0];
	_ =	sdelay $0x2  }
0xba: {  	s31 =	sshll.u32 s1, $0xD;
	s1 =	sshrl.u32 s1, $0x2  }
0xbb: {  	s3 =	sand.u32 $0x4000, s31;
	s1 =	sadd.s32 s1, s30  }
0xbc: {  	s0 =	sor.u32 s3, s0;
	s1 =	sshll.u32 s1, $0x11  }
0xbd: {  	s0 =	sor.u32 s1, s0  }
0xbe: {  	s0 =	sadd.s32 $0x8F2B, s0  }
0xbf: {  	[sflag:s0] =	ssyncadd.remote.s32 $0x1  }
0xc0: {  	_ =	sfence.sel $0xFFFF  }
0xc1: {  	[dreg:$0x0] =	wrdreg $0xFFFFFFFF;
	(pc) =	sbr.abs _section_cstart, $3  }
0xc2: {  	[dreg:$0x1] =	wrdreg $0xFFFFFFFF  }
0xc3: {  	_ =	task.clear_ibuf [dreg:s8], $0x2FFFF;
	_ =	strace $0x9FFFFFFF  }
0xc4: {  	(tm) =	ssettm $0x7FFFFFFF  }
0xc5: {  	_ =	shalt  }
tec
execute0_lowered:
.L_overlay_start_1:
0x0: {  	(tag) =	ssettag $0x1  }
0x1: {  	s0 =	rddreg [dreg:$0x0]  }
0x2: {  	s1 =	srdreg.scid;
	s2 =	rddreg [dreg:$0x1]  }
0x3: {  	s10 =	stileid.u32;
	s4 =	rddreg [dreg:$0x2];
	s11 =	simm.s32 $0x5C00  }
0x4: {  	s13 =	simm.s32 $0x9C00;
	s28 =	simm.s32 $0xB;
	s8 =	smul.u32 $0x190000, s10  }
0x5: {  	s29 =	simm.s32 $0xC;
	s1 =	sand.u32 $0x1, s1;
	s15 =	smul.u32 $0x32000, s10  }
0x6: {  	s30 =	simm.s32 $0x0;
	s3 =	sshll.u32 s10, $0x1;
	s9 =	smul.u32 $0xC8000, s1  }
0x7: {  	s5 =	sor.u32 s1, s3;
	s7 =	ssub.s32 $0x2, s1;
	s1 =	smul.u32 $0x19000, s1  }
0x8: {  	s10 =	simm.s32 $0x1C00;
	s3 =	simm.s32 $0x0;
	s6 =	smul.u32 $0x380, s5  }
0x9: {  	[smem:$0x7FF] =	sst s3;
	s5 =	smul.u32 $0xC8000, s5;
	s14 =	sshrl.u32 s7, $0x1  }
0xa: {  	_ =	strace $0x80000047;
	s7 =	ssub.s32 s7, s14;
	s16 =	sadd.s32 s9, s8  }
0xb: {  	s8 =	simm.s32 $0xD;
	s14 =	simm.s32 $0xDC00;
	s0 =	sadd.s32 s6, s0  }
0xc: {  	s5 =	sshrl.u32 s5, $0x3;
	s9 =	sadd.s32 $0x14000, s16;
	s20 =	sadd.s32 $0x10000, s16  }
0xd: {  	s22 =	sadd.s32 $0xC000, s16;
	s6 =	sadd.s32 $0x8000, s16;
	s31 =	smax.u32 s7, $0x1  }
0xe: {  	s16 =	simm.s32 $0x11C00;
	s0 =	sadd.s32 $0x400, s0;
	s17 =	sadd.s32 s4, s5  }
0xf: {  	s18 =	sshrl.u32 s9, $0x3;
	s21 =	sshrl.u32 s20, $0x3;
	s24 =	sshrl.u32 s6, $0x3  }
0x10: {  	[dreg:$0xc] =	wrdreg s31;
	s9 =	simm.s32 $0x80;
	s20 =	simm.s32 $0x7  }
0x11: {  	[dreg:$0x9] =	wrdreg s0;
	s0 =	sadd.s32 s15, s4;
	s5 =	sadd.s32 $0x18000, s17  }
0x12: {  	s19 =	sadd.s32 s18, s4;
	s25 =	sadd.s32 $0x18800, s17;
	s26 =	sadd.s32 s24, s4  }
0x13: {  	s15 =	simm.s32 $0x1;
	s17 =	simm.s32 $0x2;
	[dreg:$0xa] =	wrdreg s5  }
0x14: {  	s18 =	simm.s32 $0x15C00;
	s24 =	simm.s32 $0x6;
	[dreg:$0x5] =	wrdreg s19  }
0x15: {  	s0 =	sadd.s32 s1, s0;
	s1 =	sshrl.u32 s22, $0x3;
	[dreg:$0xb] =	wrdreg s25  }
0x16: {  	[dreg:$0x8] =	wrdreg s26;
	s19 =	simm.s32 $0x3;
	s22 =	simm.s32 $0x8  }
0x17: {  	s25 =	simm.s32 $0x9;
	[dreg:$0x4] =	wrdreg s0;
	s0 =	sadd.s32 s21, s4  }
0x18: {  	s26 =	simm.s32 $0xA;
	s23 =	sadd.s32 s1, s4;
	[dreg:$0x6] =	wrdreg s0  }
0x19: {  	s21 =	simm.s32 $0x4;
	[dreg:$0x7] =	wrdreg s23;
	s23 =	simm.s32 $0x5  }
.LBB2_1:
0x1a: {  	s0 =	rddreg [dreg:$0x9]  }
0x1b: {  	[tilespmem:s3], [sflag:$0xD] =	stream.linear.gather [hbm4b:s0+s3], $0x1900, $0x38;
	[tilespmem:$0x19C00] =	vst v63  }
0x1c: {  	_ =	swait.ge [sflag:s8], $0x1900  }
0x1d: {  	[sflag:s8] =	ssyncset.done $0x0  }
0x1e: {  	p0 =	por $0x1, $0x1;
	[sflag:s8] =	ssyncadd.s32 $0xFFFFE700  }
0x1f: {  	[tilespmem:s10], [sflag:$0x1] =	stream.indirect.gather [hbm4b:s2+s9], $0x80, s3, s9, $0xb8;
	[tilespmem:$0x19C00] =	vst v63  }
0x20: {  	p0 =	por p0, p0  }
0x21: {  	[tilespmem:s11], [sflag:$0x2] =	stream.indirect.gather [hbm4b:s2+s9], $0x80, s9, s9, $0xb8;
	[tilespmem:$0x19C00] =	vst v63  }
0x22: {  	s6 =	simm.s32 $0x100;
	s0 =	simm.s32 @!p0 $0xA  }
0x23: {  	[tilespmem:s13], [sflag:$0x3] =	stream.indirect.gather [hbm4b:s2+s9], $0x80, s6, s9, $0xb8;
	[tilespmem:$0x19C00] =	vst v63  }
0x24: {  	_ =	swait.ge @!p0 [sflag:s0], $0x4000  }
0x25: {  	[sflag:s0] =	ssyncset.done @!p0 $0x0  }
0x26: {  	s7 =	simm.s32 $0x180;
	[sflag:s0] =	ssyncadd.s32 @!p0 $0xFFFFC000  }
0x27: {  	[tilespmem:s14], [sflag:$0x4] =	stream.indirect.gather [hbm4b:s2+s9], $0x80, s7, s9, $0xb8;
	[tilespmem:$0x19C00] =	vst v63  }
0x28: {  	_ =	swait.ge [sflag:s15], $0x4000  }
0x29: {  	s12 =	rddreg [dreg:$0x4];
	[sflag:s15] =	ssyncset.done $0x0  }
0x2a: {  	s1 =	simm.s32 @!p0 $0xB;
	[sflag:s15] =	ssyncadd.s32 $0xFFFFC000;
	s0 =	sadd.s32 $0x0, s12  }
0x2b: {  	[hbm4b:s0+s3] =	stream.linear.scatter [tilespmem:s10], [sflag:$0x7], $0x4000, $0x38;
	[tilespmem:$0x19C00] =	vst v63  }
0x2c: {  	_ =	swait.ge @!p0 [sflag:s1], $0x4000  }
0x2d: {  	[sflag:s1] =	ssyncset.done @!p0 $0x0  }
0x2e: {  	s4 =	simm.s32 $0x200;
	[sflag:s1] =	ssyncadd.s32 @!p0 $0xFFFFC000  }
0x2f: {  	[tilespmem:s16], [sflag:$0x5] =	stream.indirect.gather [hbm4b:s2+s9], $0x80, s4, s9, $0xb8;
	[tilespmem:$0x19C00] =	vst v63  }
0x30: {  	_ =	swait.ge [sflag:s17], $0x4000  }
0x31: {  	[sflag:s17] =	ssyncset.done $0x0  }
0x32: {  	s0 =	sadd.s32 $0x800, s0;
	s1 =	simm.s32 @!p0 $0xC;
	[sflag:s17] =	ssyncadd.s32 $0xFFFFC000  }
0x33: {  	[hbm4b:s0+s3] =	stream.linear.scatter [tilespmem:s11], [sflag:$0x8], $0x4000, $0x38;
	[tilespmem:$0x19C00] =	vst v63  }
0x34: {  	_ =	swait.ge @!p0 [sflag:s1], $0x4000  }
0x35: {  	[sflag:s1] =	ssyncset.done @!p0 $0x0  }
0x36: {  	[sflag:s1] =	ssyncadd.s32 @!p0 $0xFFFFC000;
	s1 =	simm.s32 $0x280  }
0x37: {  	[tilespmem:s18], [sflag:$0x6] =	stream.indirect.gather [hbm4b:s2+s9], $0x80, s1, s9, $0xb8;
	[tilespmem:$0x19C00] =	vst v63  }
0x38: {  	_ =	swait.ge [sflag:s19], $0x4000  }
0x39: {  	s4 =	rddreg [dreg:$0x8];
	[sflag:s19] =	ssyncset.done $0x0  }
0x3a: {  	[sflag:s19] =	ssyncadd.s32 $0xFFFFC000;
	s0 =	sadd.s32 $0x0, s4  }
0x3b: {  	[hbm4b:s0+s3] =	stream.linear.scatter [tilespmem:s13], [sflag:$0x9], $0x4000, $0x38;
	[tilespmem:$0x19C00] =	vst v63  }
0x3c: {  	_ =	swait.ge [sflag:s20], $0x4000  }
0x3d: {  	[sflag:s20] =	ssyncset.done $0x0  }
0x3e: {  	s5 =	simm.s32 $0x300;
	[sflag:s20] =	ssyncadd.s32 $0xFFFFC000  }
0x3f: {  	[tilespmem:s10], [sflag:$0x1] =	stream.indirect.gather [hbm4b:s2+s9], $0x80, s5, s9, $0xb8;
	[tilespmem:$0x19C00] =	vst v63  }
0x40: {  	_ =	swait.ge [sflag:s21], $0x4000  }
0x41: {  	s6 =	rddreg [dreg:$0x7];
	[sflag:s21] =	ssyncset.done $0x0  }
0x42: {  	[sflag:s21] =	ssyncadd.s32 $0xFFFFC000;
	s0 =	sadd.s32 $0x0, s6  }
0x43: {  	[hbm4b:s0+s3] =	stream.linear.scatter [tilespmem:s14], [sflag:$0xA], $0x4000, $0x38;
	[tilespmem:$0x19C00] =	vst v63  }
0x44: {  	_ =	swait.ge [sflag:s22], $0x4000  }
0x45: {  	[sflag:s22] =	ssyncset.done $0x0  }
0x46: {  	s7 =	simm.s32 $0x380;
	[sflag:s22] =	ssyncadd.s32 $0xFFFFC000  }
0x47: {  	[tilespmem:s11], [sflag:$0x2] =	stream.indirect.gather [hbm4b:s2+s9], $0x80, s7, s9, $0xb8;
	[tilespmem:$0x19C00] =	vst v63  }
0x48: {  	_ =	swait.ge [sflag:s23], $0x4000  }
0x49: {  	s12 =	rddreg [dreg:$0x6];
	[sflag:s23] =	ssyncset.done $0x0  }
0x4a: {  	p0 =	por $0x0, $0x0;
	[sflag:s23] =	ssyncadd.s32 $0xFFFFC000;
	s0 =	sadd.s32 $0x0, s12  }
0x4b: {  	[hbm4b:s0+s3] =	stream.linear.scatter [tilespmem:s16], [sflag:$0xB], $0x4000, $0x38;
	[tilespmem:$0x19C00] =	vst v63  }
0x4c: {  	s0 =	simm.s32 @!p0 $0x9  }
0x4d: {  	_ =	swait.ge @!p0 [sflag:s0], $0x4000  }
0x4e: {  	s31 =	simm.s32 $0x3000;
	s1 =	simm.s32 @!p0 $0x9C00;
	[sflag:s0] =	ssyncset.done @!p0 $0x0  }
0x4f: {  	s4 =	simm.s32 @!p0 $0x400;
	s12 =	simm.s32 @!p0 $0x80;
	[sflag:s0] =	ssyncadd.s32 @!p0 $0xFFFFC000  }
0x50: {  	[tilespmem:s1], [sflag:$0x3] =	stream.indirect.gather @!p0 [hbm4b:s2+s12], $0x80, s4, s12, $0xb8;
	[tilespmem:$0x19C00] =	vst v63  }
0x51: {  	p6 =	por $0x0, $0x0;
	s0 =	simm.s32 $0x6000;
	_ =	swait.ge [sflag:s24], $0x4000  }
0x52: {  	p0 =	por p6, p6;
	s1 =	simm.s32 $0x500;
	[sflag:s24] =	ssyncset.done $0x0  }
0x53: {  	s12 =	simm.s32 $0x0;
	s4 =	rddreg [dreg:$0x5];
	[sflag:s24] =	ssyncadd.s32 $0xFFFFC000  }
.LBB2_2:
0x54: {  	s5 =	simm.s32 @!p0 $0xA;
	s4 =	sadd.s32 s12, s4  }
0x55: {  	[hbm4b:s4+s3] =	stream.linear.scatter [tilespmem:s18], [sflag:$0xC], $0x4000, $0x38;
	[tilespmem:$0x19C00] =	vst v63  }
0x56: {  	_ =	swait.ge @!p0 [sflag:s5], $0x4000  }
0x57: {  	[sflag:s5] =	ssyncset.done @!p0 $0x0  }
0x58: {  	s6 =	sadd.s32 $0xFFFFFF80, s1;
	[sflag:s5] =	ssyncadd.s32 @!p0 $0xFFFFC000  }
0x59: {  	[tilespmem:s14], [sflag:$0x4] =	stream.indirect.gather [hbm4b:s2+s9], $0x80, s6, s9, $0xb8;
	[tilespmem:$0x19C00] =	vst v63  }
0x5a: {  	_ =	swait.ge [sflag:s15], $0x4000  }
0x5b: {  	s12 =	smov.u32 s31;
	s7 =	rddreg [dreg:$0x4];
	[sflag:s15] =	ssyncset.done $0x0  }
0x5c: {  	s5 =	simm.s32 @!p0 $0xB;
	[sflag:s15] =	ssyncadd.s32 $0xFFFFC000;
	s4 =	sadd.s32 s12, s7  }
0x5d: {  	[hbm4b:s4+s3] =	stream.linear.scatter [tilespmem:s10], [sflag:$0x7], $0x4000, $0x38;
	[tilespmem:$0x19C00] =	vst v63  }
0x5e: {  	_ =	swait.ge @!p0 [sflag:s5], $0x4000  }
0x5f: {  	[sflag:s5] =	ssyncset.done @!p0 $0x0  }
0x60: {  	[sflag:s5] =	ssyncadd.s32 @!p0 $0xFFFFC000  }
0x61: {  	[tilespmem:s16], [sflag:$0x5] =	stream.indirect.gather [hbm4b:s2+s9], $0x80, s1, s9, $0xb8;
	[tilespmem:$0x19C00] =	vst v63  }
0x62: {  	_ =	swait.ge [sflag:s17], $0x4000  }
0x63: {  	[sflag:s17] =	ssyncset.done $0x0  }
0x64: {  	s4 =	sadd.s32 $0x800, s4;
	s5 =	simm.s32 @!p0 $0xC;
	[sflag:s17] =	ssyncadd.s32 $0xFFFFC000  }
0x65: {  	[hbm4b:s4+s3] =	stream.linear.scatter [tilespmem:s11], [sflag:$0x8], $0x4000, $0x38;
	[tilespmem:$0x19C00] =	vst v63  }
0x66: {  	_ =	swait.ge @!p0 [sflag:s5], $0x4000  }
0x67: {  	[sflag:s5] =	ssyncset.done @!p0 $0x0  }
0x68: {  	[sflag:s5] =	ssyncadd.s32 @!p0 $0xFFFFC000;
	s5 =	sadd.s32 $0x80, s1  }
0x69: {  	[tilespmem:s18], [sflag:$0x6] =	stream.indirect.gather [hbm4b:s2+s9], $0x80, s5, s9, $0xb8;
	[tilespmem:$0x19C00] =	vst v63  }
0x6a: {  	_ =	swait.ge [sflag:s19], $0x4000  }
0x6b: {  	s6 =	rddreg [dreg:$0x8];
	[sflag:s19] =	ssyncset.done $0x0  }
0x6c: {  	[sflag:s19] =	ssyncadd.s32 $0xFFFFC000;
	s4 =	sadd.s32 s12, s6  }
0x6d: {  	[hbm4b:s4+s3] =	stream.linear.scatter [tilespmem:s13], [sflag:$0x9], $0x4000, $0x38;
	[tilespmem:$0x19C00] =	vst v63  }
0x6e: {  	_ =	swait.ge [sflag:s20], $0x4000  }
0x6f: {  	[sflag:s20] =	ssyncset.done $0x0  }
0x70: {  	s7 =	sadd.s32 $0x100, s1;
	[sflag:s20] =	ssyncadd.s32 $0xFFFFC000  }
0x71: {  	[tilespmem:s10], [sflag:$0x1] =	stream.indirect.gather [hbm4b:s2+s9], $0x80, s7, s9, $0xb8;
	[tilespmem:$0x19C00] =	vst v63  }
0x72: {  	_ =	swait.ge [sflag:s21], $0x4000  }
0x73: {  	s5 =	rddreg [dreg:$0x7];
	[sflag:s21] =	ssyncset.done $0x0  }
0x74: {  	[sflag:s21] =	ssyncadd.s32 $0xFFFFC000;
	s4 =	sadd.s32 s12, s5  }
0x75: {  	[hbm4b:s4+s3] =	stream.linear.scatter [tilespmem:s14], [sflag:$0xA], $0x4000, $0x38;
	[tilespmem:$0x19C00] =	vst v63  }
0x76: {  	_ =	swait.ge [sflag:s22], $0x4000  }
0x77: {  	[sflag:s22] =	ssyncset.done $0x0  }
0x78: {  	s6 =	sadd.s32 $0x180, s1;
	[sflag:s22] =	ssyncadd.s32 $0xFFFFC000  }
0x79: {  	[tilespmem:s11], [sflag:$0x2] =	stream.indirect.gather [hbm4b:s2+s9], $0x80, s6, s9, $0xb8;
	[tilespmem:$0x19C00] =	vst v63  }
0x7a: {  	p2 =	seq.s32 s0, $0x0;
	_ =	swait.ge [sflag:s23], $0x4000  }
0x7b: {  	p0 =	por p2, p2;
	s7 =	rddreg [dreg:$0x6];
	[sflag:s23] =	ssyncset.done $0x0  }
0x7c: {  	p2 =	seq.s32 s12, $0x15000;
	[sflag:s23] =	ssyncadd.s32 $0xFFFFC000;
	s4 =	sadd.s32 s12, s7  }
0x7d: {  	[hbm4b:s4+s3] =	stream.linear.scatter [tilespmem:s16], [sflag:$0xB], $0x4000, $0x38;
	[tilespmem:$0x19C00] =	vst v63  }
0x7e: {  	s31 =	smov.u32 s0;
	s0 =	sadd.s32 $0x3000, s0;
	s4 =	simm.s32 @!p2 $0x9  }
0x7f: {  	p1 =	sne.s32 s0, $0x18000;
	_ =	swait.ge @!p2 [sflag:s4], $0x4000  }
0x80: {  	s5 =	simm.s32 @!p2 $0x9C00;
	s6 =	sadd.s32 @!p2 $0x200, s1;
	[sflag:s4] =	ssyncset.done @!p2 $0x0  }
.Ltmp0:
0x81: {  	s7 =	simm.s32 @!p2 $0x80;
	[sflag:s4] =	ssyncadd.s32 @!p2 $0xFFFFC000;
	(pc) =	sbr.rel @p1 .LBB2_2-.Ltmp0, $4  }
0x82: {  	[tilespmem:s5], [sflag:$0x3] =	stream.indirect.gather @!p2 [hbm4b:s2+s7], $0x80, s6, s7, $0xb8;
	[tilespmem:$0x19C00] =	vst v63  }
0x83: {  	_ =	swait.ge [sflag:s24], $0x4000  }
0x84: {  	[sflag:s24] =	ssyncset.done $0x0  }
0x85: {  	s1 =	sadd.s32 $0x300, s1;
	s4 =	rddreg [dreg:$0x5];
	[sflag:s24] =	ssyncadd.s32 $0xFFFFC000  }
0x86: {  	s0 =	sadd.s32 s12, s4;
	s4 =	simm.s32 @!p0 $0xA  }
0x87: {  	[hbm4b:s0+s3] =	stream.linear.scatter [tilespmem:s18], [sflag:$0xC], $0x4000, $0x38;
	[tilespmem:$0x19C00] =	vst v63  }
0x88: {  	_ =	swait.ge @!p0 [sflag:s4], $0x4000  }
0x89: {  	[sflag:s4] =	ssyncset.done @!p0 $0x0  }
0x8a: {  	s12 =	sadd.s32 $0xFFFFFF80, s1;
	[sflag:s4] =	ssyncadd.s32 @!p0 $0xFFFFC000  }
0x8b: {  	[tilespmem:s14], [sflag:$0x4] =	stream.indirect.gather [hbm4b:s2+s9], $0x80, s12, s9, $0xb8;
	[tilespmem:$0x19C00] =	vst v63  }
0x8c: {  	_ =	swait.ge [sflag:s15], $0x4000  }
0x8d: {  	s4 =	rddreg [dreg:$0x4];
	[sflag:s15] =	ssyncset.done $0x0  }
0x8e: {  	[sflag:s15] =	ssyncadd.s32 $0xFFFFC000;
	s0 =	sadd.s32 s31, s4;
	s4 =	simm.s32 @!p0 $0xB  }
0x8f: {  	[hbm4b:s0+s3] =	stream.linear.scatter [tilespmem:s10], [sflag:$0x7], $0x4000, $0x38;
	[tilespmem:$0x19C00] =	vst v63  }
0x90: {  	_ =	swait.ge @!p0 [sflag:s4], $0x4000  }
0x91: {  	[sflag:s4] =	ssyncset.done @!p0 $0x0  }
0x92: {  	[sflag:s4] =	ssyncadd.s32 @!p0 $0xFFFFC000  }
0x93: {  	[tilespmem:s16], [sflag:$0x5] =	stream.indirect.gather [hbm4b:s2+s9], $0x80, s1, s9, $0xb8;
	[tilespmem:$0x19C00] =	vst v63  }
0x94: {  	_ =	swait.ge [sflag:s17], $0x4000  }
0x95: {  	[sflag:s17] =	ssyncset.done $0x0  }
0x96: {  	s0 =	sadd.s32 $0x800, s0;
	s4 =	simm.s32 @!p0 $0xC;
	[sflag:s17] =	ssyncadd.s32 $0xFFFFC000  }
0x97: {  	[hbm4b:s0+s3] =	stream.linear.scatter [tilespmem:s11], [sflag:$0x8], $0x4000, $0x38;
	[tilespmem:$0x19C00] =	vst v63  }
0x98: {  	_ =	swait.ge @!p0 [sflag:s4], $0x4000  }
0x99: {  	[sflag:s4] =	ssyncset.done @!p0 $0x0  }
0x9a: {  	s5 =	sadd.s32 $0x80, s1;
	[sflag:s4] =	ssyncadd.s32 @!p0 $0xFFFFC000  }
0x9b: {  	[tilespmem:s18], [sflag:$0x6] =	stream.indirect.gather [hbm4b:s2+s9], $0x80, s5, s9, $0xb8;
	[tilespmem:$0x19C00] =	vst v63  }
0x9c: {  	_ =	swait.ge [sflag:s19], $0x4000  }
0x9d: {  	s6 =	rddreg [dreg:$0x8];
	[sflag:s19] =	ssyncset.done $0x0  }
0x9e: {  	[sflag:s19] =	ssyncadd.s32 $0xFFFFC000;
	s0 =	sadd.s32 s31, s6  }
0x9f: {  	[hbm4b:s0+s3] =	stream.linear.scatter [tilespmem:s13], [sflag:$0x9], $0x4000, $0x38;
	[tilespmem:$0x19C00] =	vst v63  }
0xa0: {  	_ =	swait.ge [sflag:s20], $0x4000  }
0xa1: {  	[sflag:s20] =	ssyncset.done $0x0  }
0xa2: {  	s7 =	sadd.s32 $0x100, s1;
	[sflag:s20] =	ssyncadd.s32 $0xFFFFC000  }
0xa3: {  	[tilespmem:s10], [sflag:$0x1] =	stream.indirect.gather [hbm4b:s2+s9], $0x80, s7, s9, $0xb8;
	[tilespmem:$0x19C00] =	vst v63  }
0xa4: {  	_ =	swait.ge [sflag:s21], $0x4000  }
0xa5: {  	s12 =	rddreg [dreg:$0x7];
	[sflag:s21] =	ssyncset.done $0x0  }
0xa6: {  	[sflag:s21] =	ssyncadd.s32 $0xFFFFC000;
	s0 =	sadd.s32 s31, s12  }
0xa7: {  	[hbm4b:s0+s3] =	stream.linear.scatter [tilespmem:s14], [sflag:$0xA], $0x4000, $0x38;
	[tilespmem:$0x19C00] =	vst v63  }
0xa8: {  	_ =	swait.ge [sflag:s22], $0x4000  }
0xa9: {  	[sflag:s22] =	ssyncset.done $0x0  }
0xaa: {  	s4 =	sadd.s32 $0x180, s1;
	[sflag:s22] =	ssyncadd.s32 $0xFFFFC000  }
0xab: {  	[tilespmem:s11], [sflag:$0x2] =	stream.indirect.gather [hbm4b:s2+s9], $0x80, s4, s9, $0xb8;
	[tilespmem:$0x19C00] =	vst v63  }
0xac: {  	_ =	swait.ge [sflag:s23], $0x4000  }
0xad: {  	s5 =	rddreg [dreg:$0x6];
	[sflag:s23] =	ssyncset.done $0x0  }
0xae: {  	p0 =	seq.s32 s31, $0x15000;
	[sflag:s23] =	ssyncadd.s32 $0xFFFFC000;
	s0 =	sadd.s32 s31, s5  }
0xaf: {  	[hbm4b:s0+s3] =	stream.linear.scatter [tilespmem:s16], [sflag:$0xB], $0x4000, $0x38;
	[tilespmem:$0x19C00] =	vst v63  }
0xb0: {  	s0 =	simm.s32 @!p0 $0x9  }
0xb1: {  	_ =	swait.ge @!p0 [sflag:s0], $0x4000  }
0xb2: {  	s1 =	sadd.s32 @!p0 $0x200, s1;
	[sflag:s0] =	ssyncset.done @!p0 $0x0  }
0xb3: {  	s4 =	simm.s32 @!p0 $0x9C00;
	[sflag:s0] =	ssyncadd.s32 @!p0 $0xFFFFC000;
	s0 =	simm.s32 @!p0 $0x80  }
0xb4: {  	[tilespmem:s4], [sflag:$0x3] =	stream.indirect.gather @!p0 [hbm4b:s2+s0], $0x80, s1, s0, $0xb8;
	[tilespmem:$0x19C00] =	vst v63  }
0xb5: {  	_ =	swait.ge [sflag:s24], $0x4000  }
0xb6: {  	s6 =	rddreg [dreg:$0x5];
	[sflag:s24] =	ssyncset.done $0x0  }
0xb7: {  	s0 =	sadd.s32 s31, s6;
	[sflag:s24] =	ssyncadd.s32 $0xFFFFC000  }
0xb8: {  	[hbm4b:s0+s3] =	stream.linear.scatter [tilespmem:s18], [sflag:$0xC], $0x4000, $0x38;
	[tilespmem:$0x19C00] =	vst v63  }
0xb9: {  	_ =	swait.ge [sflag:s15], $0x4000  }
0xba: {  	[sflag:s15] =	ssyncset.done $0x0  }
0xbb: {  	s7 =	rddreg [dreg:$0xa];
	[sflag:s15] =	ssyncadd.s32 $0xFFFFC000  }
0xbc: {  	[hbm4b:s7+s3] =	stream.linear.scatter [tilespmem:s10], [sflag:$0x7], $0x4000, $0x38;
	[tilespmem:$0x19C00] =	vst v63  }
0xbd: {  	_ =	swait.ge [sflag:s17], $0x4000  }
0xbe: {  	[sflag:s17] =	ssyncset.done $0x0  }
0xbf: {  	s12 =	rddreg [dreg:$0xb];
	[sflag:s17] =	ssyncadd.s32 $0xFFFFC000  }
0xc0: {  	[hbm4b:s12+s3] =	stream.linear.scatter [tilespmem:s11], [sflag:$0x8], $0x4000, $0x38;
	[tilespmem:$0x19C00] =	vst v63  }
0xc1: {  	_ =	swait.ge [sflag:s25], $0x4000  }
0xc2: {  	[sflag:s25] =	ssyncset.done $0x0  }
0xc3: {  	[sflag:s25] =	ssyncadd.s32 $0xFFFFC000  }
0xc4: {  	_ =	swait.ge [sflag:s26], $0x4000  }
0xc5: {  	[sflag:s26] =	ssyncset.done $0x0  }
0xc6: {  	[sflag:s26] =	ssyncadd.s32 $0xFFFFC000  }
0xc7: {  	_ =	swait.ge [sflag:s28], $0x4000  }
0xc8: {  	[sflag:s28] =	ssyncset.done $0x0  }
0xc9: {  	[sflag:s28] =	ssyncadd.s32 $0xFFFFC000  }
0xca: {  	_ =	swait.ge [sflag:s29], $0x4000  }
0xcb: {  	[sflag:s29] =	ssyncset.done $0x0  }
0xcc: {  	[sflag:s29] =	ssyncadd.s32 $0xFFFFC000  }
0xcd: {  	_ =	swait.ge [sflag:s20], $0x4000  }
0xce: {  	[sflag:s20] =	ssyncset.done $0x0  }
0xcf: {  	[sflag:s20] =	ssyncadd.s32 $0xFFFFC000  }
0xd0: {  	_ =	swait.ge [sflag:s22], $0x4000  }
0xd1: {  	s30 =	sadd.s32 $0x1, s30;
	s31 =	rddreg [dreg:$0xc]  }
0xd2: {  	p0 =	sne.s32 s30, s31  }
.Ltmp1:
0xd3: {  	_ = 	snop;
	(pc) =	sbr.rel @p0 .LBB2_1-.Ltmp1, $3  }
0xd4: {  	_ =	sdelay $0x1  }
0xd5: {  	[sflag:s22] =	ssyncset.done $0x0  }
0xd6: {  	[sflag:s22] =	ssyncadd.s32 $0xFFFFC000  }
0xd7: {  	_ =	sfence.sel $0x180000  }
0xd8: {  	[bflag:$0x0] =	sbarrier.arrive $0xFFFF  }
0xd9: {  	_ =	strace $0x90000047  }
0xda: {  	s0 =	stileid.u32;
	[bflag:$0x2] =	sbarrier.arrive $0xFFFF  }
0xdb: {  	p0 =	sne.s32 s0, $0x0;
	s0 =	rddreg [dreg:$0x3]  }
0xdc: {  	s0 =	sadd.s32 @!p0 $0x100000, s0  }
0xdd: {  	[sflag:s0] =	ssyncadd.tile.s32 @!p0 $0x1;
	_ =	shalt  }
.Lfunc_end2:
_tile_overlayer_lowered:
.L_overlay_start_2:
0xde: {  	(tag) =	ssettag $0x2  }
0xdf: {  	s0 =	rddreg [dreg:$0x0];
	s2 =	stileid.u32  }
0xe0: {  	s1 =	rddreg [dreg:$0x1];
	p0 =	sne.s32 s2, $0x0  }
0xe1: {  	s3 =	rddreg [dreg:$0x2];
	[bflag:$0x3] =	sbarrier.arrive $0xFFFF;
	s2 =	simm.s32 @!p0 $0x1C0D  }
0xe2: {  	[timem:s3], [sflag:s2] =	dma.local @!p0 [hbm:s0], s1  }
0xe3: {  	s0 =	simm.s32 @!p0 $0xD  }
0xe4: {  	_ =	swait.ge @!p0 [sflag:s0], s1  }
0xe5: {  	s1 =	ssub.s32 @!p0 $0x0, s1;
	[sflag:s0] =	ssyncset.done @!p0 $0x0  }
0xe6: {  	[sflag:s0] =	ssyncadd.s32 @!p0 s1  }
0xe7: {  	[bflag:$0x3] =	sbarrier.arrive $0xFFFF  }
0xe8: {  	_ =	shalt  }

</sc_bundles>
